<compile_context>
chip_gen: v7x
topology: tpu7x:2x2x1
jax: 0.10.2.dev20260603
libtpu: 0.0.44.dev20260713+nightly
codegen_flags: <defaults>
</compile_context>

<pallas_src>
import functools

import jax
import jax.numpy as jnp
from jax import lax
from jax.experimental import pallas as pl
from jax.experimental.pallas import tpu as pltpu
from jax.experimental.pallas import tpu_sc as plsc

N = 10000
E = 320000
D = 128
G = 64

NC = 2
NS = 16
CHUNK = 80
EDGES_PER_TILE = E // (NC * NS)
NCHUNKS = EDGES_PER_TILE // CHUNK
ROWS_PER_TILE = 624
TAIL_ROWS = N - NS * ROWS_PER_TILE


def _agg_body(h_hbm, src_hbm, dst_hbm, out_hbm, src_v, dst_v, rows_v, acc_sh, sem):
    cid = lax.axis_index("c")
    sid = lax.axis_index("s")

    row0 = sid * ROWS_PER_TILE
    pltpu.sync_copy(h_hbm.at[pl.ds(row0, ROWS_PER_TILE)],
                    acc_sh.at[pl.ds(row0, ROWS_PER_TILE)])

    @pl.when(sid == NS - 1)
    def _init_tail():
        pltpu.sync_copy(h_hbm.at[pl.ds(NS * ROWS_PER_TILE, TAIL_ROWS)],
                        acc_sh.at[pl.ds(NS * ROWS_PER_TILE, TAIL_ROWS)])

    plsc.subcore_barrier()

    base = cid * (E // NC) + sid * EDGES_PER_TILE

    @pl.loop(0, NCHUNKS)
    def _chunk(j):
        off = base + j * CHUNK
        pltpu.sync_copy(src_hbm.at[pl.ds(off, CHUNK)], src_v)
        pltpu.sync_copy(dst_hbm.at[pl.ds(off, CHUNK)], dst_v)
        pltpu.async_copy(h_hbm.at[src_v], rows_v, sem).wait()
        pltpu.sync_copy(rows_v, acc_sh.at[dst_v], add=True)

    plsc.subcore_barrier()
    pltpu.sync_copy(acc_sh.at[pl.ds(row0, ROWS_PER_TILE)],
                    out_hbm.at[cid].at[pl.ds(row0, ROWS_PER_TILE)])

    @pl.when(sid == NS - 1)
    def _out_tail():
        pltpu.sync_copy(acc_sh.at[pl.ds(NS * ROWS_PER_TILE, TAIL_ROWS)],
                        out_hbm.at[cid].at[pl.ds(NS * ROWS_PER_TILE, TAIL_ROWS)])


@functools.cache
def _make_agg():
    return pl.kernel(
        _agg_body,
        out_type=jax.ShapeDtypeStruct((NC, N, D), jnp.float32),
        mesh=plsc.VectorSubcoreMesh(core_axis_name="c", subcore_axis_name="s",
                                    num_cores=NC, num_subcores=NS),
        scratch_types=[
            pltpu.VMEM((CHUNK,), jnp.int32),
            pltpu.VMEM((CHUNK,), jnp.int32),
            pltpu.VMEM((CHUNK, D), jnp.float32),
            pltpu.VMEM_SHARED((N, D), jnp.float32),
            pltpu.SemaphoreType.DMA,
        ],
    )


BN = 1000


def _mlp_body(h_ref, p_ref, w1_ref, b1_ref, w2_ref, b2_ref, o_ref):
    m = p_ref[0] + p_ref[1] - h_ref[...]
    t = jnp.dot(m, w1_ref[...], preferred_element_type=jnp.float32) + b1_ref[...]
    t = jnp.maximum(t, 0.0)
    t = jnp.dot(t, w2_ref[...], preferred_element_type=jnp.float32) + b2_ref[...]
    o_ref[...] = jnp.maximum(t, 0.0)


def _mlp(h, parts, w1, b1, w2, b2):
    return pl.pallas_call(
        _mlp_body,
        out_shape=jax.ShapeDtypeStruct((N, D), jnp.float32),
        grid=(N // BN,),
        in_specs=[
            pl.BlockSpec((BN, D), lambda i: (i, 0)),
            pl.BlockSpec((NC, BN, D), lambda i: (0, i, 0)),
            pl.BlockSpec((D, D), lambda i: (0, 0)),
            pl.BlockSpec((1, D), lambda i: (0, 0)),
            pl.BlockSpec((D, D), lambda i: (0, 0)),
            pl.BlockSpec((1, D), lambda i: (0, 0)),
        ],
        out_specs=pl.BlockSpec((BN, D), lambda i: (i, 0)),
    )(h, parts, w1, b1, w2, b2)


def _pool_head_body(h_ref, batch_ref, wh1_ref, bh1_ref, wh2_ref, bh2_ref, o_ref):
    onehot = (batch_ref[...] ==
              lax.broadcasted_iota(jnp.int32, (N, G), 1)).astype(jnp.float32)
    sums = lax.dot_general(onehot, h_ref[...], (((0,), (0,)), ((), ())),
                           preferred_element_type=jnp.float32)
    counts = lax.dot_general(onehot, jnp.ones((N, 1), jnp.float32),
                             (((0,), (0,)), ((), ())),
                             preferred_element_type=jnp.float32)
    pooled = sums / jnp.maximum(counts, 1.0)
    hh = jnp.dot(pooled, wh1_ref[...], preferred_element_type=jnp.float32) + bh1_ref[...]
    o_ref[...] = jnp.dot(hh, wh2_ref[...], preferred_element_type=jnp.float32) + bh2_ref[...]


def _pool_head(h, batch2d, wh1, bh1, wh2, bh2):
    return pl.pallas_call(
        _pool_head_body,
        out_shape=jax.ShapeDtypeStruct((G, 1), jnp.float32),
    )(h, batch2d, wh1, bh1, wh2, bh2)


def kernel(x, edge_index, batch,
           W1_0, b1_0, W2_0, b2_0,
           W1_1, b1_1, W2_1, b2_1,
           W1_2, b1_2, W2_2, b2_2,
           W1_3, b1_3, W2_3, b2_3,
           W1_4, b1_4, W2_4, b2_4,
           Wh1, bh1, Wh2, bh2):
    src = edge_index[0]
    dst = edge_index[1]
    convs = [(W1_0, b1_0, W2_0, b2_0), (W1_1, b1_1, W2_1, b2_1),
             (W1_2, b1_2, W2_2, b2_2), (W1_3, b1_3, W2_3, b2_3),
             (W1_4, b1_4, W2_4, b2_4)]
    h = x
    for (w1, b1, w2, b2) in convs:
        parts = _make_agg()(h, src, dst)
        h = _mlp(h, parts, w1, b1.reshape(1, D), w2, b2.reshape(1, D))
    return _pool_head(h, batch.reshape(N, 1), Wh1,
                      bh1.reshape(1, D), Wh2, bh2.reshape(1, 1))

# --- scband reference (transcript-rebuilt; emitter-appended) ---
"""Pipeline reference for scband-gcn-72456098284043 (READ-ONLY COPY).

The authoritative reference and input builder live on the scoring server;
editing this copy changes nothing except your own understanding.
"""

import jax, jax.numpy as jnp
import numpy as np

N = 10000
E = 320000
D = 128
H = 128
OUT = 1
G = 64


def _xavier(key, shape):
    fan_in, fan_out = shape[0], shape[1]
    std = (2.0 / (fan_in + fan_out)) ** 0.5
    return jax.random.normal(key, shape, dtype=jnp.float32) * std


def setup_inputs(seed: int = 0):
    key = jax.random.key(seed)
    ks = jax.random.split(key, 40)
    inp = {}
    inp["x"] = jax.random.normal(ks[0], (N, D), dtype=jnp.float32)
    inp["edge_index"] = jax.random.randint(ks[1], (2, E), 0, N, dtype=jnp.int32)
    inp["batch"] = jnp.sort(jax.random.randint(ks[2], (N,), 0, G, dtype=jnp.int32))
    dims = [(D, H)] + [(H, H)] * 4
    k = 3
    for i, (din, dout) in enumerate(dims):
        inp[f"W1_{i}"] = _xavier(ks[k], (din, H)); k += 1
        inp[f"b1_{i}"] = jnp.zeros((H,), dtype=jnp.float32)
        inp[f"W2_{i}"] = _xavier(ks[k], (H, H)); k += 1
        inp[f"b2_{i}"] = jnp.zeros((H,), dtype=jnp.float32)
    inp["Wh1"] = _xavier(ks[k], (H, H)); k += 1
    inp["bh1"] = jnp.zeros((H,), dtype=jnp.float32)
    inp["Wh2"] = _xavier(ks[k], (H, OUT)); k += 1
    inp["bh2"] = jnp.zeros((OUT,), dtype=jnp.float32)
    return inp


def reference(x, edge_index, batch,
              W1_0, b1_0, W2_0, b2_0,
              W1_1, b1_1, W2_1, b2_1,
              W1_2, b1_2, W2_2, b2_2,
              W1_3, b1_3, W2_3, b2_3,
              W1_4, b1_4, W2_4, b2_4,
              Wh1, bh1, Wh2, bh2):
    src = edge_index[0]
    dst = edge_index[1]
    convs = [(W1_0, b1_0, W2_0, b2_0), (W1_1, b1_1, W2_1, b2_1),
             (W1_2, b1_2, W2_2, b2_2), (W1_3, b1_3, W2_3, b2_3),
             (W1_4, b1_4, W2_4, b2_4)]
    h = x
    for (W1, b1, W2, b2) in convs:
        # GINConv with eps=0: mlp((1+eps)*x + sum_{j in N(i)} x_j)
        agg = jnp.zeros_like(h).at[dst].add(h[src])
        m = h + agg
        m = jnp.maximum(m @ W1 + b1, 0.0) @ W2 + b2
        h = jnp.maximum(m, 0.0)  # ReLU after conv (dropout is identity in eval)
    sums = jax.ops.segment_sum(h, batch, num_segments=G)
    counts = jax.ops.segment_sum(jnp.ones((h.shape[0],), dtype=jnp.float32), batch, num_segments=G)
    pooled = sums / jnp.maximum(counts, 1.0)[:, None]
    hh = pooled @ Wh1 + bh1  # head: Linear -> Dropout(eval=id) -> Linear
    out = hh @ Wh2 + bh2
    return out

if __name__ == "__main__":
    import jax
    _d = setup_inputs()
    print(jax.jit(kernel)(*tuple(_d.values())))

</pallas_src>

<mosaic_0001>
#map = affine_map<(d0, d1) -> (0, 0)>
#map1 = affine_map<(d0, d1) -> (0)>
#map2 = affine_map<(d0, d1) -> (0, 0, 0)>
module attributes {stable_mosaic.version = 14 : i64} {
  func.func @_agg_body(%arg0: i32, %arg1: i32, %arg2: memref<10000x128xf32, #tpu.memory_space<hbm>>, %arg3: memref<320000xi32, #tpu.memory_space<hbm>>, %arg4: memref<320000xi32, #tpu.memory_space<hbm>>, %arg5: memref<2x10000x128xf32, #tpu.memory_space<hbm>>, %arg6: memref<80xi32, #tpu.memory_space<vmem>>, %arg7: memref<80xi32, #tpu.memory_space<vmem>>, %arg8: memref<80x128xf32, #tpu.memory_space<vmem>>, %arg9: memref<10000x128xf32, #tpu.memory_space<vmem_shared>>, %arg10: memref<!tpu.dma_semaphore, #tpu.memory_space<semaphore_mem>>) attributes {dimension_semantics = [#tpu.dimension_semantics<core_parallel>, #tpu.dimension_semantics<subcore_parallel>], iteration_bounds = array<i64: 2, 16>, scalar_prefetch = 0 : i64, scratch_operands = 5 : i64, tpu.core_type = #tpu.core_type<sc_vector_subcore>, window_params = [{transform_indices = #map}, {transform_indices = #map1}, {transform_indices = #map1}, {transform_indices = #map2}]} {
    %mul3A = arith.constant 624 : i32
    %mul3A_0 = arith.muli %arg1, %mul3A : i32
    "tpu.region"() ({
      %run_scoped3A = tpu.sem_alloc : memref<!tpu.dma_semaphore, #tpu.memory_space<semaphore_mem>>
      %dma_start3A = arith.constant 0 : i32
      %dma_start3A_17 = tpu.memref_slice %arg9[%mul3A_0, %dma_start3A] : memref<10000x128xf32, #tpu.memory_space<vmem_shared>> -> memref<624x128xf32, #tpu.memory_space<vmem_shared>>
      %dma_start3A_18 = arith.constant 0 : i32
      %dma_start3A_19 = tpu.memref_slice %arg2[%mul3A_0, %dma_start3A_18] : memref<10000x128xf32, #tpu.memory_space<hbm>> -> memref<624x128xf32, #tpu.memory_space<hbm>>
      tpu.enqueue_dma source(%dma_start3A_19 : memref<624x128xf32, #tpu.memory_space<hbm>>) target(%dma_start3A_17 : memref<624x128xf32, #tpu.memory_space<vmem_shared>>) target_semaphore(%run_scoped3A : memref<!tpu.dma_semaphore, #tpu.memory_space<semaphore_mem>>)
      %dma_wait3A = arith.constant 0 : i32
      %dma_wait3A_20 = tpu.memref_slice %arg9[%mul3A_0, %dma_wait3A] : memref<10000x128xf32, #tpu.memory_space<vmem_shared>> -> memref<624x128xf32, #tpu.memory_space<vmem_shared>>
      %dma_wait3A_21 = arith.constant 0 : i32
      %dma_wait3A_22 = tpu.memref_slice %arg2[%mul3A_0, %dma_wait3A_21] : memref<10000x128xf32, #tpu.memory_space<hbm>> -> memref<624x128xf32, #tpu.memory_space<hbm>>
      tpu.wait_dma2 semaphore(%run_scoped3A : memref<!tpu.dma_semaphore, #tpu.memory_space<semaphore_mem>>) src(%dma_wait3A_22 : memref<624x128xf32, #tpu.memory_space<hbm>>) dst(%dma_wait3A_20 : memref<624x128xf32, #tpu.memory_space<vmem_shared>>)
      tpu.yield
    }) : () -> ()
    %eq3A = arith.constant 15 : i32
    %eq3A_1 = arith.cmpi eq, %arg1, %eq3A : i32
    %convert_element_type3A = arith.extui %eq3A_1 : i1 to i32
    %cond3A = arith.constant 0 : i32
    %cond3A_2 = arith.cmpi ne, %convert_element_type3A, %cond3A : i32
    scf.if %cond3A_2 {
      "tpu.region"() ({
        %run_scoped3A = tpu.sem_alloc : memref<!tpu.dma_semaphore, #tpu.memory_space<semaphore_mem>>
        %dma_start3A = arith.constant 9984 : i32
        %dma_start3A_17 = arith.constant 0 : i32
        %dma_start3A_18 = tpu.memref_slice %arg9[%dma_start3A, %dma_start3A_17] : memref<10000x128xf32, #tpu.memory_space<vmem_shared>> -> memref<16x128xf32, #tpu.memory_space<vmem_shared>>
        %dma_start3A_19 = arith.constant 9984 : i32
        %dma_start3A_20 = arith.constant 0 : i32
        %dma_start3A_21 = tpu.memref_slice %arg2[%dma_start3A_19, %dma_start3A_20] : memref<10000x128xf32, #tpu.memory_space<hbm>> -> memref<16x128xf32, #tpu.memory_space<hbm>>
        tpu.enqueue_dma source(%dma_start3A_21 : memref<16x128xf32, #tpu.memory_space<hbm>>) target(%dma_start3A_18 : memref<16x128xf32, #tpu.memory_space<vmem_shared>>) target_semaphore(%run_scoped3A : memref<!tpu.dma_semaphore, #tpu.memory_space<semaphore_mem>>)
        %dma_wait3A = arith.constant 9984 : i32
        %dma_wait3A_22 = arith.constant 0 : i32
        %dma_wait3A_23 = tpu.memref_slice %arg9[%dma_wait3A, %dma_wait3A_22] : memref<10000x128xf32, #tpu.memory_space<vmem_shared>> -> memref<16x128xf32, #tpu.memory_space<vmem_shared>>
        %dma_wait3A_24 = arith.constant 9984 : i32
        %dma_wait3A_25 = arith.constant 0 : i32
        %dma_wait3A_26 = tpu.memref_slice %arg2[%dma_wait3A_24, %dma_wait3A_25] : memref<10000x128xf32, #tpu.memory_space<hbm>> -> memref<16x128xf32, #tpu.memory_space<hbm>>
        tpu.wait_dma2 semaphore(%run_scoped3A : memref<!tpu.dma_semaphore, #tpu.memory_space<semaphore_mem>>) src(%dma_wait3A_26 : memref<16x128xf32, #tpu.memory_space<hbm>>) dst(%dma_wait3A_23 : memref<16x128xf32, #tpu.memory_space<vmem_shared>>)
        tpu.yield
      }) : () -> ()
    } else {
    }
    %barrier3A = arith.constant 0 : index
    tpu.barrier barrier_id(%barrier3A)
    %mul3A_3 = arith.constant 160000 : i32
    %mul3A_4 = arith.muli %arg0, %mul3A_3 : i32
    %mul3A_5 = arith.constant 10000 : i32
    %mul3A_6 = arith.muli %arg1, %mul3A_5 : i32
    %add3A = arith.addi %mul3A_4, %mul3A_6 : i32
    %scan3A = arith.constant 0 : i32
    %scan3A_7 = arith.constant 125 : i32
    %scan3A_8 = arith.addi %scan3A, %scan3A_7 : i32
    %scan3A_9 = arith.constant 1 : i32
    scf.for %scan3A_17 = %scan3A to %scan3A_8 step %scan3A_9  : i32 {
      %mul3A_18 = arith.constant 1 : i32
      %mul3A_19 = arith.muli %scan3A_17, %mul3A_18 : i32
      %add3A_20 = arith.constant 0 : i32
      %add3A_21 = arith.addi %add3A_20, %mul3A_19 : i32
      %mul3A_22 = arith.constant 80 : i32
      %mul3A_23 = arith.muli %add3A_21, %mul3A_22 : i32
      %add3A_24 = arith.addi %add3A, %mul3A_23 : i32
      "tpu.region"() ({
        %run_scoped3A = tpu.sem_alloc : memref<!tpu.dma_semaphore, #tpu.memory_space<semaphore_mem>>
        %dma_start3A_29 = tpu.memref_slice %arg3[%add3A_24] : memref<320000xi32, #tpu.memory_space<hbm>> -> memref<80xi32, #tpu.memory_space<hbm>>
        %dma_start3A_30 = tpu.memref_slice %arg3[%add3A_24] : memref<320000xi32, #tpu.memory_space<hbm>> -> memref<80xi32, #tpu.memory_space<hbm>>
        tpu.enqueue_dma source(%dma_start3A_30 : memref<80xi32, #tpu.memory_space<hbm>>) target(%arg6 : memref<80xi32, #tpu.memory_space<vmem>>) target_semaphore(%run_scoped3A : memref<!tpu.dma_semaphore, #tpu.memory_space<semaphore_mem>>)
        %dma_wait3A_31 = tpu.memref_slice %arg3[%add3A_24] : memref<320000xi32, #tpu.memory_space<hbm>> -> memref<80xi32, #tpu.memory_space<hbm>>
        %dma_wait3A_32 = tpu.memref_slice %arg3[%add3A_24] : memref<320000xi32, #tpu.memory_space<hbm>> -> memref<80xi32, #tpu.memory_space<hbm>>
        tpu.wait_dma2 semaphore(%run_scoped3A : memref<!tpu.dma_semaphore, #tpu.memory_space<semaphore_mem>>) src(%dma_wait3A_32 : memref<80xi32, #tpu.memory_space<hbm>>) dst(%arg6 : memref<80xi32, #tpu.memory_space<vmem>>)
        tpu.yield
      }) : () -> ()
      "tpu.region"() ({
        %run_scoped3A = tpu.sem_alloc : memref<!tpu.dma_semaphore, #tpu.memory_space<semaphore_mem>>
        %dma_start3A_29 = tpu.memref_slice %arg4[%add3A_24] : memref<320000xi32, #tpu.memory_space<hbm>> -> memref<80xi32, #tpu.memory_space<hbm>>
        %dma_start3A_30 = tpu.memref_slice %arg4[%add3A_24] : memref<320000xi32, #tpu.memory_space<hbm>> -> memref<80xi32, #tpu.memory_space<hbm>>
        tpu.enqueue_dma source(%dma_start3A_30 : memref<80xi32, #tpu.memory_space<hbm>>) target(%arg7 : memref<80xi32, #tpu.memory_space<vmem>>) target_semaphore(%run_scoped3A : memref<!tpu.dma_semaphore, #tpu.memory_space<semaphore_mem>>)
        %dma_wait3A_31 = tpu.memref_slice %arg4[%add3A_24] : memref<320000xi32, #tpu.memory_space<hbm>> -> memref<80xi32, #tpu.memory_space<hbm>>
        %dma_wait3A_32 = tpu.memref_slice %arg4[%add3A_24] : memref<320000xi32, #tpu.memory_space<hbm>> -> memref<80xi32, #tpu.memory_space<hbm>>
        tpu.wait_dma2 semaphore(%run_scoped3A : memref<!tpu.dma_semaphore, #tpu.memory_space<semaphore_mem>>) src(%dma_wait3A_32 : memref<80xi32, #tpu.memory_space<hbm>>) dst(%arg7 : memref<80xi32, #tpu.memory_space<vmem>>)
        tpu.yield
      }) : () -> ()
      %dma_start3A = arith.constant 0 : i32
      %dma_start3A_25 = arith.constant 0 : i32
      %dma_start3A_26 = tpu.memref_slice %arg2[%dma_start3A, %dma_start3A_25] : memref<10000x128xf32, #tpu.memory_space<hbm>> -> memref<10000x128xf32, #tpu.memory_space<hbm>>
      tpu.enqueue_indirect_dma source(%dma_start3A_26 : memref<10000x128xf32, #tpu.memory_space<hbm>>) target(%arg8 : memref<80x128xf32, #tpu.memory_space<vmem>>) offsets(%arg6 : memref<80xi32, #tpu.memory_space<vmem>>) semaphore(%arg10 : memref<!tpu.dma_semaphore, #tpu.memory_space<semaphore_mem>>)
      %dma_wait3A = arith.constant 0 : i32
      %dma_wait3A_27 = arith.constant 0 : i32
      %dma_wait3A_28 = tpu.memref_slice %arg2[%dma_wait3A, %dma_wait3A_27] : memref<10000x128xf32, #tpu.memory_space<hbm>> -> memref<10000x128xf32, #tpu.memory_space<hbm>>
      tpu.wait_indirect_dma semaphore(%arg10 : memref<!tpu.dma_semaphore, #tpu.memory_space<semaphore_mem>>) src(%dma_wait3A_28 : memref<10000x128xf32, #tpu.memory_space<hbm>>) dst(%arg8 : memref<80x128xf32, #tpu.memory_space<vmem>>)
      "tpu.region"() ({
        %run_scoped3A = tpu.sem_alloc : memref<!tpu.dma_semaphore, #tpu.memory_space<semaphore_mem>>
        %dma_start3A_29 = arith.constant 0 : i32
        %dma_start3A_30 = arith.constant 0 : i32
        %dma_start3A_31 = tpu.memref_slice %arg9[%dma_start3A_29, %dma_start3A_30] : memref<10000x128xf32, #tpu.memory_space<vmem_shared>> -> memref<10000x128xf32, #tpu.memory_space<vmem_shared>>
        tpu.enqueue_indirect_dma source(%arg8 : memref<80x128xf32, #tpu.memory_space<vmem>>) target(%dma_start3A_31 : memref<10000x128xf32, #tpu.memory_space<vmem_shared>>) offsets(%arg7 : memref<80xi32, #tpu.memory_space<vmem>>) semaphore(%run_scoped3A : memref<!tpu.dma_semaphore, #tpu.memory_space<semaphore_mem>>) {add = true}
        %dma_wait3A_32 = arith.constant 0 : i32
        %dma_wait3A_33 = arith.constant 0 : i32
        %dma_wait3A_34 = tpu.memref_slice %arg9[%dma_wait3A_32, %dma_wait3A_33] : memref<10000x128xf32, #tpu.memory_space<vmem_shared>> -> memref<10000x128xf32, #tpu.memory_space<vmem_shared>>
        tpu.wait_indirect_dma semaphore(%run_scoped3A : memref<!tpu.dma_semaphore, #tpu.memory_space<semaphore_mem>>) src(%arg8 : memref<80x128xf32, #tpu.memory_space<vmem>>) dst(%dma_wait3A_34 : memref<10000x128xf32, #tpu.memory_space<vmem_shared>>)
        tpu.yield
      }) : () -> ()
    }
    %scan3A_10 = arith.constant 125 : i32
    %barrier3A_11 = arith.constant 0 : index
    tpu.barrier barrier_id(%barrier3A_11)
    "tpu.region"() ({
      %run_scoped3A = tpu.sem_alloc : memref<!tpu.dma_semaphore, #tpu.memory_space<semaphore_mem>>
      %dma_start3A = arith.constant 0 : i32
      %dma_start3A_17 = arith.constant 0 : i32
      %dma_start3A_18 = tpu.memref_slice %arg5[%arg0, %dma_start3A, %dma_start3A_17] : memref<2x10000x128xf32, #tpu.memory_space<hbm>> -> memref<1x10000x128xf32, #tpu.memory_space<hbm>>
      %dma_start3A_19 = tpu.memref_squeeze %dma_start3A_18 : memref<1x10000x128xf32, #tpu.memory_space<hbm>> -> memref<10000x128xf32, #tpu.memory_space<hbm>>
      %dma_start3A_20 = arith.constant 0 : i32
      %dma_start3A_21 = tpu.memref_slice %dma_start3A_19[%mul3A_0, %dma_start3A_20] : memref<10000x128xf32, #tpu.memory_space<hbm>> -> memref<624x128xf32, #tpu.memory_space<hbm>>
      %dma_start3A_22 = arith.constant 0 : i32
      %dma_start3A_23 = tpu.memref_slice %arg9[%mul3A_0, %dma_start3A_22] : memref<10000x128xf32, #tpu.memory_space<vmem_shared>> -> memref<624x128xf32, #tpu.memory_space<vmem_shared>>
      tpu.enqueue_dma source(%dma_start3A_23 : memref<624x128xf32, #tpu.memory_space<vmem_shared>>) target(%dma_start3A_21 : memref<624x128xf32, #tpu.memory_space<hbm>>) target_semaphore(%run_scoped3A : memref<!tpu.dma_semaphore, #tpu.memory_space<semaphore_mem>>)
      %dma_wait3A = arith.constant 0 : i32
      %dma_wait3A_24 = arith.constant 0 : i32
      %dma_wait3A_25 = tpu.memref_slice %arg5[%arg0, %dma_wait3A, %dma_wait3A_24] : memref<2x10000x128xf32, #tpu.memory_space<hbm>> -> memref<1x10000x128xf32, #tpu.memory_space<hbm>>
      %dma_wait3A_26 = tpu.memref_squeeze %dma_wait3A_25 : memref<1x10000x128xf32, #tpu.memory_space<hbm>> -> memref<10000x128xf32, #tpu.memory_space<hbm>>
      %dma_wait3A_27 = arith.constant 0 : i32
      %dma_wait3A_28 = tpu.memref_slice %dma_wait3A_26[%mul3A_0, %dma_wait3A_27] : memref<10000x128xf32, #tpu.memory_space<hbm>> -> memref<624x128xf32, #tpu.memory_space<hbm>>
      %dma_wait3A_29 = arith.constant 0 : i32
      %dma_wait3A_30 = tpu.memref_slice %arg9[%mul3A_0, %dma_wait3A_29] : memref<10000x128xf32, #tpu.memory_space<vmem_shared>> -> memref<624x128xf32, #tpu.memory_space<vmem_shared>>
      tpu.wait_dma2 semaphore(%run_scoped3A : memref<!tpu.dma_semaphore, #tpu.memory_space<semaphore_mem>>) src(%dma_wait3A_30 : memref<624x128xf32, #tpu.memory_space<vmem_shared>>) dst(%dma_wait3A_28 : memref<624x128xf32, #tpu.memory_space<hbm>>)
      tpu.yield
    }) : () -> ()
    %eq3A_12 = arith.constant 15 : i32
    %eq3A_13 = arith.cmpi eq, %arg1, %eq3A_12 : i32
    %convert_element_type3A_14 = arith.extui %eq3A_13 : i1 to i32
    %cond3A_15 = arith.constant 0 : i32
    %cond3A_16 = arith.cmpi ne, %convert_element_type3A_14, %cond3A_15 : i32
    scf.if %cond3A_16 {
      "tpu.region"() ({
        %run_scoped3A = tpu.sem_alloc : memref<!tpu.dma_semaphore, #tpu.memory_space<semaphore_mem>>
        %dma_start3A = arith.constant 0 : i32
        %dma_start3A_17 = arith.constant 0 : i32
        %dma_start3A_18 = tpu.memref_slice %arg5[%arg0, %dma_start3A, %dma_start3A_17] : memref<2x10000x128xf32, #tpu.memory_space<hbm>> -> memref<1x10000x128xf32, #tpu.memory_space<hbm>>
        %dma_start3A_19 = tpu.memref_squeeze %dma_start3A_18 : memref<1x10000x128xf32, #tpu.memory_space<hbm>> -> memref<10000x128xf32, #tpu.memory_space<hbm>>
        %dma_start3A_20 = arith.constant 9984 : i32
        %dma_start3A_21 = arith.constant 0 : i32
        %dma_start3A_22 = tpu.memref_slice %dma_start3A_19[%dma_start3A_20, %dma_start3A_21] : memref<10000x128xf32, #tpu.memory_space<hbm>> -> memref<16x128xf32, #tpu.memory_space<hbm>>
        %dma_start3A_23 = arith.constant 9984 : i32
        %dma_start3A_24 = arith.constant 0 : i32
        %dma_start3A_25 = tpu.memref_slice %arg9[%dma_start3A_23, %dma_start3A_24] : memref<10000x128xf32, #tpu.memory_space<vmem_shared>> -> memref<16x128xf32, #tpu.memory_space<vmem_shared>>
        tpu.enqueue_dma source(%dma_start3A_25 : memref<16x128xf32, #tpu.memory_space<vmem_shared>>) target(%dma_start3A_22 : memref<16x128xf32, #tpu.memory_space<hbm>>) target_semaphore(%run_scoped3A : memref<!tpu.dma_semaphore, #tpu.memory_space<semaphore_mem>>)
        %dma_wait3A = arith.constant 0 : i32
        %dma_wait3A_26 = arith.constant 0 : i32
        %dma_wait3A_27 = tpu.memref_slice %arg5[%arg0, %dma_wait3A, %dma_wait3A_26] : memref<2x10000x128xf32, #tpu.memory_space<hbm>> -> memref<1x10000x128xf32, #tpu.memory_space<hbm>>
        %dma_wait3A_28 = tpu.memref_squeeze %dma_wait3A_27 : memref<1x10000x128xf32, #tpu.memory_space<hbm>> -> memref<10000x128xf32, #tpu.memory_space<hbm>>
        %dma_wait3A_29 = arith.constant 9984 : i32
        %dma_wait3A_30 = arith.constant 0 : i32
        %dma_wait3A_31 = tpu.memref_slice %dma_wait3A_28[%dma_wait3A_29, %dma_wait3A_30] : memref<10000x128xf32, #tpu.memory_space<hbm>> -> memref<16x128xf32, #tpu.memory_space<hbm>>
        %dma_wait3A_32 = arith.constant 9984 : i32
        %dma_wait3A_33 = arith.constant 0 : i32
        %dma_wait3A_34 = tpu.memref_slice %arg9[%dma_wait3A_32, %dma_wait3A_33] : memref<10000x128xf32, #tpu.memory_space<vmem_shared>> -> memref<16x128xf32, #tpu.memory_space<vmem_shared>>
        tpu.wait_dma2 semaphore(%run_scoped3A : memref<!tpu.dma_semaphore, #tpu.memory_space<semaphore_mem>>) src(%dma_wait3A_34 : memref<16x128xf32, #tpu.memory_space<vmem_shared>>) dst(%dma_wait3A_31 : memref<16x128xf32, #tpu.memory_space<hbm>>)
        tpu.yield
      }) : () -> ()
    } else {
    }
    return
  }
}

#map = affine_map<(d0, d1) -> (0, 0)>
#map1 = affine_map<(d0, d1) -> (0)>
#map2 = affine_map<(d0, d1) -> (0, 0, 0)>
module attributes {stable_mosaic.version = 14 : i64} {
  func.func @_agg_body(%arg0: i32, %arg1: i32, %arg2: memref<10000x128xf32, #tpu.memory_space<hbm>>, %arg3: memref<320000xi32, #tpu.memory_space<hbm>>, %arg4: memref<320000xi32, #tpu.memory_space<hbm>>, %arg5: memref<2x10000x128xf32, #tpu.memory_space<hbm>>, %arg6: memref<80xi32, #tpu.memory_space<vmem>>, %arg7: memref<80xi32, #tpu.memory_space<vmem>>, %arg8: memref<80x128xf32, #tpu.memory_space<vmem>>, %arg9: memref<10000x128xf32, #tpu.memory_space<vmem_shared>>, %arg10: memref<!tpu.dma_semaphore, #tpu.memory_space<semaphore_mem>>) attributes {dimension_semantics = [#tpu.dimension_semantics<core_parallel>, #tpu.dimension_semantics<subcore_parallel>], iteration_bounds = array<i64: 2, 16>, scalar_prefetch = 0 : i64, scratch_operands = 5 : i64, tpu.core_type = #tpu.core_type<sc_vector_subcore>, window_params = [{transform_indices = #map}, {transform_indices = #map1}, {transform_indices = #map1}, {transform_indices = #map2}]} {
    %mul3A = arith.constant 624 : i32
    %mul3A_0 = arith.muli %arg1, %mul3A : i32
    "tpu.region"() ({
      %run_scoped3A = tpu.sem_alloc : memref<!tpu.dma_semaphore, #tpu.memory_space<semaphore_mem>>
      %dma_start3A = arith.constant 0 : i32
      %dma_start3A_17 = tpu.memref_slice %arg9[%mul3A_0, %dma_start3A] : memref<10000x128xf32, #tpu.memory_space<vmem_shared>> -> memref<624x128xf32, #tpu.memory_space<vmem_shared>>
      %dma_start3A_18 = arith.constant 0 : i32
      %dma_start3A_19 = tpu.memref_slice %arg2[%mul3A_0, %dma_start3A_18] : memref<10000x128xf32, #tpu.memory_space<hbm>> -> memref<624x128xf32, #tpu.memory_space<hbm>>
      tpu.enqueue_dma source(%dma_start3A_19 : memref<624x128xf32, #tpu.memory_space<hbm>>) target(%dma_start3A_17 : memref<624x128xf32, #tpu.memory_space<vmem_shared>>) target_semaphore(%run_scoped3A : memref<!tpu.dma_semaphore, #tpu.memory_space<semaphore_mem>>)
      %dma_wait3A = arith.constant 0 : i32
      %dma_wait3A_20 = tpu.memref_slice %arg9[%mul3A_0, %dma_wait3A] : memref<10000x128xf32, #tpu.memory_space<vmem_shared>> -> memref<624x128xf32, #tpu.memory_space<vmem_shared>>
      %dma_wait3A_21 = arith.constant 0 : i32
      %dma_wait3A_22 = tpu.memref_slice %arg2[%mul3A_0, %dma_wait3A_21] : memref<10000x128xf32, #tpu.memory_space<hbm>> -> memref<624x128xf32, #tpu.memory_space<hbm>>
      tpu.wait_dma2 semaphore(%run_scoped3A : memref<!tpu.dma_semaphore, #tpu.memory_space<semaphore_mem>>) src(%dma_wait3A_22 : memref<624x128xf32, #tpu.memory_space<hbm>>) dst(%dma_wait3A_20 : memref<624x128xf32, #tpu.memory_space<vmem_shared>>)
      tpu.yield
    }) : () -> ()
    %eq3A = arith.constant 15 : i32
    %eq3A_1 = arith.cmpi eq, %arg1, %eq3A : i32
    %convert_element_type3A = arith.extui %eq3A_1 : i1 to i32
    %cond3A = arith.constant 0 : i32
    %cond3A_2 = arith.cmpi ne, %convert_element_type3A, %cond3A : i32
    scf.if %cond3A_2 {
      "tpu.region"() ({
        %run_scoped3A = tpu.sem_alloc : memref<!tpu.dma_semaphore, #tpu.memory_space<semaphore_mem>>
        %dma_start3A = arith.constant 9984 : i32
        %dma_start3A_17 = arith.constant 0 : i32
        %dma_start3A_18 = tpu.memref_slice %arg9[%dma_start3A, %dma_start3A_17] : memref<10000x128xf32, #tpu.memory_space<vmem_shared>> -> memref<16x128xf32, #tpu.memory_space<vmem_shared>>
        %dma_start3A_19 = arith.constant 9984 : i32
        %dma_start3A_20 = arith.constant 0 : i32
        %dma_start3A_21 = tpu.memref_slice %arg2[%dma_start3A_19, %dma_start3A_20] : memref<10000x128xf32, #tpu.memory_space<hbm>> -> memref<16x128xf32, #tpu.memory_space<hbm>>
        tpu.enqueue_dma source(%dma_start3A_21 : memref<16x128xf32, #tpu.memory_space<hbm>>) target(%dma_start3A_18 : memref<16x128xf32, #tpu.memory_space<vmem_shared>>) target_semaphore(%run_scoped3A : memref<!tpu.dma_semaphore, #tpu.memory_space<semaphore_mem>>)
        %dma_wait3A = arith.constant 9984 : i32
        %dma_wait3A_22 = arith.constant 0 : i32
        %dma_wait3A_23 = tpu.memref_slice %arg9[%dma_wait3A, %dma_wait3A_22] : memref<10000x128xf32, #tpu.memory_space<vmem_shared>> -> memref<16x128xf32, #tpu.memory_space<vmem_shared>>
        %dma_wait3A_24 = arith.constant 9984 : i32
        %dma_wait3A_25 = arith.constant 0 : i32
        %dma_wait3A_26 = tpu.memref_slice %arg2[%dma_wait3A_24, %dma_wait3A_25] : memref<10000x128xf32, #tpu.memory_space<hbm>> -> memref<16x128xf32, #tpu.memory_space<hbm>>
        tpu.wait_dma2 semaphore(%run_scoped3A : memref<!tpu.dma_semaphore, #tpu.memory_space<semaphore_mem>>) src(%dma_wait3A_26 : memref<16x128xf32, #tpu.memory_space<hbm>>) dst(%dma_wait3A_23 : memref<16x128xf32, #tpu.memory_space<vmem_shared>>)
        tpu.yield
      }) : () -> ()
    } else {
    }
    %barrier3A = arith.constant 0 : index
    tpu.barrier barrier_id(%barrier3A)
    %mul3A_3 = arith.constant 160000 : i32
    %mul3A_4 = arith.muli %arg0, %mul3A_3 : i32
    %mul3A_5 = arith.constant 10000 : i32
    %mul3A_6 = arith.muli %arg1, %mul3A_5 : i32
    %add3A = arith.addi %mul3A_4, %mul3A_6 : i32
    %scan3A = arith.constant 0 : i32
    %scan3A_7 = arith.constant 125 : i32
    %scan3A_8 = arith.addi %scan3A, %scan3A_7 : i32
    %scan3A_9 = arith.constant 1 : i32
    scf.for %scan3A_17 = %scan3A to %scan3A_8 step %scan3A_9  : i32 {
      %mul3A_18 = arith.constant 1 : i32
      %mul3A_19 = arith.muli %scan3A_17, %mul3A_18 : i32
      %add3A_20 = arith.constant 0 : i32
      %add3A_21 = arith.addi %add3A_20, %mul3A_19 : i32
      %mul3A_22 = arith.constant 80 : i32
      %mul3A_23 = arith.muli %add3A_21, %mul3A_22 : i32
      %add3A_24 = arith.addi %add3A, %mul3A_23 : i32
      "tpu.region"() ({
        %run_scoped3A = tpu.sem_alloc : memref<!tpu.dma_semaphore, #tpu.memory_space<semaphore_mem>>
        %dma_start3A_29 = tpu.memref_slice %arg3[%add3A_24] : memref<320000xi32, #tpu.memory_space<hbm>> -> memref<80xi32, #tpu.memory_space<hbm>>
        %dma_start3A_30 = tpu.memref_slice %arg3[%add3A_24] : memref<320000xi32, #tpu.memory_space<hbm>> -> memref<80xi32, #tpu.memory_space<hbm>>
        tpu.enqueue_dma source(%dma_start3A_30 : memref<80xi32, #tpu.memory_space<hbm>>) target(%arg6 : memref<80xi32, #tpu.memory_space<vmem>>) target_semaphore(%run_scoped3A : memref<!tpu.dma_semaphore, #tpu.memory_space<semaphore_mem>>)
        %dma_wait3A_31 = tpu.memref_slice %arg3[%add3A_24] : memref<320000xi32, #tpu.memory_space<hbm>> -> memref<80xi32, #tpu.memory_space<hbm>>
        %dma_wait3A_32 = tpu.memref_slice %arg3[%add3A_24] : memref<320000xi32, #tpu.memory_space<hbm>> -> memref<80xi32, #tpu.memory_space<hbm>>
        tpu.wait_dma2 semaphore(%run_scoped3A : memref<!tpu.dma_semaphore, #tpu.memory_space<semaphore_mem>>) src(%dma_wait3A_32 : memref<80xi32, #tpu.memory_space<hbm>>) dst(%arg6 : memref<80xi32, #tpu.memory_space<vmem>>)
        tpu.yield
      }) : () -> ()
      "tpu.region"() ({
        %run_scoped3A = tpu.sem_alloc : memref<!tpu.dma_semaphore, #tpu.memory_space<semaphore_mem>>
        %dma_start3A_29 = tpu.memref_slice %arg4[%add3A_24] : memref<320000xi32, #tpu.memory_space<hbm>> -> memref<80xi32, #tpu.memory_space<hbm>>
        %dma_start3A_30 = tpu.memref_slice %arg4[%add3A_24] : memref<320000xi32, #tpu.memory_space<hbm>> -> memref<80xi32, #tpu.memory_space<hbm>>
        tpu.enqueue_dma source(%dma_start3A_30 : memref<80xi32, #tpu.memory_space<hbm>>) target(%arg7 : memref<80xi32, #tpu.memory_space<vmem>>) target_semaphore(%run_scoped3A : memref<!tpu.dma_semaphore, #tpu.memory_space<semaphore_mem>>)
        %dma_wait3A_31 = tpu.memref_slice %arg4[%add3A_24] : memref<320000xi32, #tpu.memory_space<hbm>> -> memref<80xi32, #tpu.memory_space<hbm>>
        %dma_wait3A_32 = tpu.memref_slice %arg4[%add3A_24] : memref<320000xi32, #tpu.memory_space<hbm>> -> memref<80xi32, #tpu.memory_space<hbm>>
        tpu.wait_dma2 semaphore(%run_scoped3A : memref<!tpu.dma_semaphore, #tpu.memory_space<semaphore_mem>>) src(%dma_wait3A_32 : memref<80xi32, #tpu.memory_space<hbm>>) dst(%arg7 : memref<80xi32, #tpu.memory_space<vmem>>)
        tpu.yield
      }) : () -> ()
      %dma_start3A = arith.constant 0 : i32
      %dma_start3A_25 = arith.constant 0 : i32
      %dma_start3A_26 = tpu.memref_slice %arg2[%dma_start3A, %dma_start3A_25] : memref<10000x128xf32, #tpu.memory_space<hbm>> -> memref<10000x128xf32, #tpu.memory_space<hbm>>
      tpu.enqueue_indirect_dma source(%dma_start3A_26 : memref<10000x128xf32, #tpu.memory_space<hbm>>) target(%arg8 : memref<80x128xf32, #tpu.memory_space<vmem>>) offsets(%arg6 : memref<80xi32, #tpu.memory_space<vmem>>) semaphore(%arg10 : memref<!tpu.dma_semaphore, #tpu.memory_space<semaphore_mem>>)
      %dma_wait3A = arith.constant 0 : i32
      %dma_wait3A_27 = arith.constant 0 : i32
      %dma_wait3A_28 = tpu.memref_slice %arg2[%dma_wait3A, %dma_wait3A_27] : memref<10000x128xf32, #tpu.memory_space<hbm>> -> memref<10000x128xf32, #tpu.memory_space<hbm>>
      tpu.wait_indirect_dma semaphore(%arg10 : memref<!tpu.dma_semaphore, #tpu.memory_space<semaphore_mem>>) src(%dma_wait3A_28 : memref<10000x128xf32, #tpu.memory_space<hbm>>) dst(%arg8 : memref<80x128xf32, #tpu.memory_space<vmem>>)
      "tpu.region"() ({
        %run_scoped3A = tpu.sem_alloc : memref<!tpu.dma_semaphore, #tpu.memory_space<semaphore_mem>>
        %dma_start3A_29 = arith.constant 0 : i32
        %dma_start3A_30 = arith.constant 0 : i32
        %dma_start3A_31 = tpu.memref_slice %arg9[%dma_start3A_29, %dma_start3A_30] : memref<10000x128xf32, #tpu.memory_space<vmem_shared>> -> memref<10000x128xf32, #tpu.memory_space<vmem_shared>>
        tpu.enqueue_indirect_dma source(%arg8 : memref<80x128xf32, #tpu.memory_space<vmem>>) target(%dma_start3A_31 : memref<10000x128xf32, #tpu.memory_space<vmem_shared>>) offsets(%arg7 : memref<80xi32, #tpu.memory_space<vmem>>) semaphore(%run_scoped3A : memref<!tpu.dma_semaphore, #tpu.memory_space<semaphore_mem>>) {add = true}
        %dma_wait3A_32 = arith.constant 0 : i32
        %dma_wait3A_33 = arith.constant 0 : i32
        %dma_wait3A_34 = tpu.memref_slice %arg9[%dma_wait3A_32, %dma_wait3A_33] : memref<10000x128xf32, #tpu.memory_space<vmem_shared>> -> memref<10000x128xf32, #tpu.memory_space<vmem_shared>>
        tpu.wait_indirect_dma semaphore(%run_scoped3A : memref<!tpu.dma_semaphore, #tpu.memory_space<semaphore_mem>>) src(%arg8 : memref<80x128xf32, #tpu.memory_space<vmem>>) dst(%dma_wait3A_34 : memref<10000x128xf32, #tpu.memory_space<vmem_shared>>)
        tpu.yield
      }) : () -> ()
    }
    %scan3A_10 = arith.constant 125 : i32
    %barrier3A_11 = arith.constant 0 : index
    tpu.barrier barrier_id(%barrier3A_11)
    "tpu.region"() ({
      %run_scoped3A = tpu.sem_alloc : memref<!tpu.dma_semaphore, #tpu.memory_space<semaphore_mem>>
      %dma_start3A = arith.constant 0 : i32
      %dma_start3A_17 = arith.constant 0 : i32
      %dma_start3A_18 = tpu.memref_slice %arg5[%arg0, %dma_start3A, %dma_start3A_17] : memref<2x10000x128xf32, #tpu.memory_space<hbm>> -> memref<1x10000x128xf32, #tpu.memory_space<hbm>>
      %dma_start3A_19 = tpu.memref_squeeze %dma_start3A_18 : memref<1x10000x128xf32, #tpu.memory_space<hbm>> -> memref<10000x128xf32, #tpu.memory_space<hbm>>
      %dma_start3A_20 = arith.constant 0 : i32
      %dma_start3A_21 = tpu.memref_slice %dma_start3A_19[%mul3A_0, %dma_start3A_20] : memref<10000x128xf32, #tpu.memory_space<hbm>> -> memref<624x128xf32, #tpu.memory_space<hbm>>
      %dma_start3A_22 = arith.constant 0 : i32
      %dma_start3A_23 = tpu.memref_slice %arg9[%mul3A_0, %dma_start3A_22] : memref<10000x128xf32, #tpu.memory_space<vmem_shared>> -> memref<624x128xf32, #tpu.memory_space<vmem_shared>>
      tpu.enqueue_dma source(%dma_start3A_23 : memref<624x128xf32, #tpu.memory_space<vmem_shared>>) target(%dma_start3A_21 : memref<624x128xf32, #tpu.memory_space<hbm>>) target_semaphore(%run_scoped3A : memref<!tpu.dma_semaphore, #tpu.memory_space<semaphore_mem>>)
      %dma_wait3A = arith.constant 0 : i32
      %dma_wait3A_24 = arith.constant 0 : i32
      %dma_wait3A_25 = tpu.memref_slice %arg5[%arg0, %dma_wait3A, %dma_wait3A_24] : memref<2x10000x128xf32, #tpu.memory_space<hbm>> -> memref<1x10000x128xf32, #tpu.memory_space<hbm>>
      %dma_wait3A_26 = tpu.memref_squeeze %dma_wait3A_25 : memref<1x10000x128xf32, #tpu.memory_space<hbm>> -> memref<10000x128xf32, #tpu.memory_space<hbm>>
      %dma_wait3A_27 = arith.constant 0 : i32
      %dma_wait3A_28 = tpu.memref_slice %dma_wait3A_26[%mul3A_0, %dma_wait3A_27] : memref<10000x128xf32, #tpu.memory_space<hbm>> -> memref<624x128xf32, #tpu.memory_space<hbm>>
      %dma_wait3A_29 = arith.constant 0 : i32
      %dma_wait3A_30 = tpu.memref_slice %arg9[%mul3A_0, %dma_wait3A_29] : memref<10000x128xf32, #tpu.memory_space<vmem_shared>> -> memref<624x128xf32, #tpu.memory_space<vmem_shared>>
      tpu.wait_dma2 semaphore(%run_scoped3A : memref<!tpu.dma_semaphore, #tpu.memory_space<semaphore_mem>>) src(%dma_wait3A_30 : memref<624x128xf32, #tpu.memory_space<vmem_shared>>) dst(%dma_wait3A_28 : memref<624x128xf32, #tpu.memory_space<hbm>>)
      tpu.yield
    }) : () -> ()
    %eq3A_12 = arith.constant 15 : i32
    %eq3A_13 = arith.cmpi eq, %arg1, %eq3A_12 : i32
    %convert_element_type3A_14 = arith.extui %eq3A_13 : i1 to i32
    %cond3A_15 = arith.constant 0 : i32
    %cond3A_16 = arith.cmpi ne, %convert_element_type3A_14, %cond3A_15 : i32
    scf.if %cond3A_16 {
      "tpu.region"() ({
        %run_scoped3A = tpu.sem_alloc : memref<!tpu.dma_semaphore, #tpu.memory_space<semaphore_mem>>
        %dma_start3A = arith.constant 0 : i32
        %dma_start3A_17 = arith.constant 0 : i32
        %dma_start3A_18 = tpu.memref_slice %arg5[%arg0, %dma_start3A, %dma_start3A_17] : memref<2x10000x128xf32, #tpu.memory_space<hbm>> -> memref<1x10000x128xf32, #tpu.memory_space<hbm>>
        %dma_start3A_19 = tpu.memref_squeeze %dma_start3A_18 : memref<1x10000x128xf32, #tpu.memory_space<hbm>> -> memref<10000x128xf32, #tpu.memory_space<hbm>>
        %dma_start3A_20 = arith.constant 9984 : i32
        %dma_start3A_21 = arith.constant 0 : i32
        %dma_start3A_22 = tpu.memref_slice %dma_start3A_19[%dma_start3A_20, %dma_start3A_21] : memref<10000x128xf32, #tpu.memory_space<hbm>> -> memref<16x128xf32, #tpu.memory_space<hbm>>
        %dma_start3A_23 = arith.constant 9984 : i32
        %dma_start3A_24 = arith.constant 0 : i32
        %dma_start3A_25 = tpu.memref_slice %arg9[%dma_start3A_23, %dma_start3A_24] : memref<10000x128xf32, #tpu.memory_space<vmem_shared>> -> memref<16x128xf32, #tpu.memory_space<vmem_shared>>
        tpu.enqueue_dma source(%dma_start3A_25 : memref<16x128xf32, #tpu.memory_space<vmem_shared>>) target(%dma_start3A_22 : memref<16x128xf32, #tpu.memory_space<hbm>>) target_semaphore(%run_scoped3A : memref<!tpu.dma_semaphore, #tpu.memory_space<semaphore_mem>>)
        %dma_wait3A = arith.constant 0 : i32
        %dma_wait3A_26 = arith.constant 0 : i32
        %dma_wait3A_27 = tpu.memref_slice %arg5[%arg0, %dma_wait3A, %dma_wait3A_26] : memref<2x10000x128xf32, #tpu.memory_space<hbm>> -> memref<1x10000x128xf32, #tpu.memory_space<hbm>>
        %dma_wait3A_28 = tpu.memref_squeeze %dma_wait3A_27 : memref<1x10000x128xf32, #tpu.memory_space<hbm>> -> memref<10000x128xf32, #tpu.memory_space<hbm>>
        %dma_wait3A_29 = arith.constant 9984 : i32
        %dma_wait3A_30 = arith.constant 0 : i32
        %dma_wait3A_31 = tpu.memref_slice %dma_wait3A_28[%dma_wait3A_29, %dma_wait3A_30] : memref<10000x128xf32, #tpu.memory_space<hbm>> -> memref<16x128xf32, #tpu.memory_space<hbm>>
        %dma_wait3A_32 = arith.constant 9984 : i32
        %dma_wait3A_33 = arith.constant 0 : i32
        %dma_wait3A_34 = tpu.memref_slice %arg9[%dma_wait3A_32, %dma_wait3A_33] : memref<10000x128xf32, #tpu.memory_space<vmem_shared>> -> memref<16x128xf32, #tpu.memory_space<vmem_shared>>
        tpu.wait_dma2 semaphore(%run_scoped3A : memref<!tpu.dma_semaphore, #tpu.memory_space<semaphore_mem>>) src(%dma_wait3A_34 : memref<16x128xf32, #tpu.memory_space<vmem_shared>>) dst(%dma_wait3A_31 : memref<16x128xf32, #tpu.memory_space<hbm>>)
        tpu.yield
      }) : () -> ()
    } else {
    }
    return
  }
}

#map = affine_map<(d0, d1) -> (0, 0)>
#map1 = affine_map<(d0, d1) -> (0)>
#map2 = affine_map<(d0, d1) -> (0, 0, 0)>
module attributes {stable_mosaic.version = 14 : i64} {
  func.func @_agg_body(%arg0: i32, %arg1: i32, %arg2: memref<10000x128xf32, #tpu.memory_space<hbm>>, %arg3: memref<320000xi32, #tpu.memory_space<hbm>>, %arg4: memref<320000xi32, #tpu.memory_space<hbm>>, %arg5: memref<2x10000x128xf32, #tpu.memory_space<hbm>>, %arg6: memref<80xi32, #tpu.memory_space<vmem>>, %arg7: memref<80xi32, #tpu.memory_space<vmem>>, %arg8: memref<80x128xf32, #tpu.memory_space<vmem>>, %arg9: memref<10000x128xf32, #tpu.memory_space<vmem_shared>>, %arg10: memref<!tpu.dma_semaphore, #tpu.memory_space<semaphore_mem>>) attributes {dimension_semantics = [#tpu.dimension_semantics<core_parallel>, #tpu.dimension_semantics<subcore_parallel>], iteration_bounds = array<i64: 2, 16>, scalar_prefetch = 0 : i64, scratch_operands = 5 : i64, tpu.core_type = #tpu.core_type<sc_vector_subcore>, window_params = [{transform_indices = #map}, {transform_indices = #map1}, {transform_indices = #map1}, {transform_indices = #map2}]} {
    %mul3A = arith.constant 624 : i32
    %mul3A_0 = arith.muli %arg1, %mul3A : i32
    "tpu.region"() ({
      %run_scoped3A = tpu.sem_alloc : memref<!tpu.dma_semaphore, #tpu.memory_space<semaphore_mem>>
      %dma_start3A = arith.constant 0 : i32
      %dma_start3A_17 = tpu.memref_slice %arg9[%mul3A_0, %dma_start3A] : memref<10000x128xf32, #tpu.memory_space<vmem_shared>> -> memref<624x128xf32, #tpu.memory_space<vmem_shared>>
      %dma_start3A_18 = arith.constant 0 : i32
      %dma_start3A_19 = tpu.memref_slice %arg2[%mul3A_0, %dma_start3A_18] : memref<10000x128xf32, #tpu.memory_space<hbm>> -> memref<624x128xf32, #tpu.memory_space<hbm>>
      tpu.enqueue_dma source(%dma_start3A_19 : memref<624x128xf32, #tpu.memory_space<hbm>>) target(%dma_start3A_17 : memref<624x128xf32, #tpu.memory_space<vmem_shared>>) target_semaphore(%run_scoped3A : memref<!tpu.dma_semaphore, #tpu.memory_space<semaphore_mem>>)
      %dma_wait3A = arith.constant 0 : i32
      %dma_wait3A_20 = tpu.memref_slice %arg9[%mul3A_0, %dma_wait3A] : memref<10000x128xf32, #tpu.memory_space<vmem_shared>> -> memref<624x128xf32, #tpu.memory_space<vmem_shared>>
      %dma_wait3A_21 = arith.constant 0 : i32
      %dma_wait3A_22 = tpu.memref_slice %arg2[%mul3A_0, %dma_wait3A_21] : memref<10000x128xf32, #tpu.memory_space<hbm>> -> memref<624x128xf32, #tpu.memory_space<hbm>>
      tpu.wait_dma2 semaphore(%run_scoped3A : memref<!tpu.dma_semaphore, #tpu.memory_space<semaphore_mem>>) src(%dma_wait3A_22 : memref<624x128xf32, #tpu.memory_space<hbm>>) dst(%dma_wait3A_20 : memref<624x128xf32, #tpu.memory_space<vmem_shared>>)
      tpu.yield
    }) : () -> ()
    %eq3A = arith.constant 15 : i32
    %eq3A_1 = arith.cmpi eq, %arg1, %eq3A : i32
    %convert_element_type3A = arith.extui %eq3A_1 : i1 to i32
    %cond3A = arith.constant 0 : i32
    %cond3A_2 = arith.cmpi ne, %convert_element_type3A, %cond3A : i32
    scf.if %cond3A_2 {
      "tpu.region"() ({
        %run_scoped3A = tpu.sem_alloc : memref<!tpu.dma_semaphore, #tpu.memory_space<semaphore_mem>>
        %dma_start3A = arith.constant 9984 : i32
        %dma_start3A_17 = arith.constant 0 : i32
        %dma_start3A_18 = tpu.memref_slice %arg9[%dma_start3A, %dma_start3A_17] : memref<10000x128xf32, #tpu.memory_space<vmem_shared>> -> memref<16x128xf32, #tpu.memory_space<vmem_shared>>
        %dma_start3A_19 = arith.constant 9984 : i32
        %dma_start3A_20 = arith.constant 0 : i32
        %dma_start3A_21 = tpu.memref_slice %arg2[%dma_start3A_19, %dma_start3A_20] : memref<10000x128xf32, #tpu.memory_space<hbm>> -> memref<16x128xf32, #tpu.memory_space<hbm>>
        tpu.enqueue_dma source(%dma_start3A_21 : memref<16x128xf32, #tpu.memory_space<hbm>>) target(%dma_start3A_18 : memref<16x128xf32, #tpu.memory_space<vmem_shared>>) target_semaphore(%run_scoped3A : memref<!tpu.dma_semaphore, #tpu.memory_space<semaphore_mem>>)
        %dma_wait3A = arith.constant 9984 : i32
        %dma_wait3A_22 = arith.constant 0 : i32
        %dma_wait3A_23 = tpu.memref_slice %arg9[%dma_wait3A, %dma_wait3A_22] : memref<10000x128xf32, #tpu.memory_space<vmem_shared>> -> memref<16x128xf32, #tpu.memory_space<vmem_shared>>
        %dma_wait3A_24 = arith.constant 9984 : i32
        %dma_wait3A_25 = arith.constant 0 : i32
        %dma_wait3A_26 = tpu.memref_slice %arg2[%dma_wait3A_24, %dma_wait3A_25] : memref<10000x128xf32, #tpu.memory_space<hbm>> -> memref<16x128xf32, #tpu.memory_space<hbm>>
        tpu.wait_dma2 semaphore(%run_scoped3A : memref<!tpu.dma_semaphore, #tpu.memory_space<semaphore_mem>>) src(%dma_wait3A_26 : memref<16x128xf32, #tpu.memory_space<hbm>>) dst(%dma_wait3A_23 : memref<16x128xf32, #tpu.memory_space<vmem_shared>>)
        tpu.yield
      }) : () -> ()
    } else {
    }
    %barrier3A = arith.constant 0 : index
    tpu.barrier barrier_id(%barrier3A)
    %mul3A_3 = arith.constant 160000 : i32
    %mul3A_4 = arith.muli %arg0, %mul3A_3 : i32
    %mul3A_5 = arith.constant 10000 : i32
    %mul3A_6 = arith.muli %arg1, %mul3A_5 : i32
    %add3A = arith.addi %mul3A_4, %mul3A_6 : i32
    %scan3A = arith.constant 0 : i32
    %scan3A_7 = arith.constant 125 : i32
    %scan3A_8 = arith.addi %scan3A, %scan3A_7 : i32
    %scan3A_9 = arith.constant 1 : i32
    scf.for %scan3A_17 = %scan3A to %scan3A_8 step %scan3A_9  : i32 {
      %mul3A_18 = arith.constant 1 : i32
      %mul3A_19 = arith.muli %scan3A_17, %mul3A_18 : i32
      %add3A_20 = arith.constant 0 : i32
      %add3A_21 = arith.addi %add3A_20, %mul3A_19 : i32
      %mul3A_22 = arith.constant 80 : i32
      %mul3A_23 = arith.muli %add3A_21, %mul3A_22 : i32
      %add3A_24 = arith.addi %add3A, %mul3A_23 : i32
      "tpu.region"() ({
        %run_scoped3A = tpu.sem_alloc : memref<!tpu.dma_semaphore, #tpu.memory_space<semaphore_mem>>
        %dma_start3A_29 = tpu.memref_slice %arg3[%add3A_24] : memref<320000xi32, #tpu.memory_space<hbm>> -> memref<80xi32, #tpu.memory_space<hbm>>
        %dma_start3A_30 = tpu.memref_slice %arg3[%add3A_24] : memref<320000xi32, #tpu.memory_space<hbm>> -> memref<80xi32, #tpu.memory_space<hbm>>
        tpu.enqueue_dma source(%dma_start3A_30 : memref<80xi32, #tpu.memory_space<hbm>>) target(%arg6 : memref<80xi32, #tpu.memory_space<vmem>>) target_semaphore(%run_scoped3A : memref<!tpu.dma_semaphore, #tpu.memory_space<semaphore_mem>>)
        %dma_wait3A_31 = tpu.memref_slice %arg3[%add3A_24] : memref<320000xi32, #tpu.memory_space<hbm>> -> memref<80xi32, #tpu.memory_space<hbm>>
        %dma_wait3A_32 = tpu.memref_slice %arg3[%add3A_24] : memref<320000xi32, #tpu.memory_space<hbm>> -> memref<80xi32, #tpu.memory_space<hbm>>
        tpu.wait_dma2 semaphore(%run_scoped3A : memref<!tpu.dma_semaphore, #tpu.memory_space<semaphore_mem>>) src(%dma_wait3A_32 : memref<80xi32, #tpu.memory_space<hbm>>) dst(%arg6 : memref<80xi32, #tpu.memory_space<vmem>>)
        tpu.yield
      }) : () -> ()
      "tpu.region"() ({
        %run_scoped3A = tpu.sem_alloc : memref<!tpu.dma_semaphore, #tpu.memory_space<semaphore_mem>>
        %dma_start3A_29 = tpu.memref_slice %arg4[%add3A_24] : memref<320000xi32, #tpu.memory_space<hbm>> -> memref<80xi32, #tpu.memory_space<hbm>>
        %dma_start3A_30 = tpu.memref_slice %arg4[%add3A_24] : memref<320000xi32, #tpu.memory_space<hbm>> -> memref<80xi32, #tpu.memory_space<hbm>>
        tpu.enqueue_dma source(%dma_start3A_30 : memref<80xi32, #tpu.memory_space<hbm>>) target(%arg7 : memref<80xi32, #tpu.memory_space<vmem>>) target_semaphore(%run_scoped3A : memref<!tpu.dma_semaphore, #tpu.memory_space<semaphore_mem>>)
        %dma_wait3A_31 = tpu.memref_slice %arg4[%add3A_24] : memref<320000xi32, #tpu.memory_space<hbm>> -> memref<80xi32, #tpu.memory_space<hbm>>
        %dma_wait3A_32 = tpu.memref_slice %arg4[%add3A_24] : memref<320000xi32, #tpu.memory_space<hbm>> -> memref<80xi32, #tpu.memory_space<hbm>>
        tpu.wait_dma2 semaphore(%run_scoped3A : memref<!tpu.dma_semaphore, #tpu.memory_space<semaphore_mem>>) src(%dma_wait3A_32 : memref<80xi32, #tpu.memory_space<hbm>>) dst(%arg7 : memref<80xi32, #tpu.memory_space<vmem>>)
        tpu.yield
      }) : () -> ()
      %dma_start3A = arith.constant 0 : i32
      %dma_start3A_25 = arith.constant 0 : i32
      %dma_start3A_26 = tpu.memref_slice %arg2[%dma_start3A, %dma_start3A_25] : memref<10000x128xf32, #tpu.memory_space<hbm>> -> memref<10000x128xf32, #tpu.memory_space<hbm>>
      tpu.enqueue_indirect_dma source(%dma_start3A_26 : memref<10000x128xf32, #tpu.memory_space<hbm>>) target(%arg8 : memref<80x128xf32, #tpu.memory_space<vmem>>) offsets(%arg6 : memref<80xi32, #tpu.memory_space<vmem>>) semaphore(%arg10 : memref<!tpu.dma_semaphore, #tpu.memory_space<semaphore_mem>>)
      %dma_wait3A = arith.constant 0 : i32
      %dma_wait3A_27 = arith.constant 0 : i32
      %dma_wait3A_28 = tpu.memref_slice %arg2[%dma_wait3A, %dma_wait3A_27] : memref<10000x128xf32, #tpu.memory_space<hbm>> -> memref<10000x128xf32, #tpu.memory_space<hbm>>
      tpu.wait_indirect_dma semaphore(%arg10 : memref<!tpu.dma_semaphore, #tpu.memory_space<semaphore_mem>>) src(%dma_wait3A_28 : memref<10000x128xf32, #tpu.memory_space<hbm>>) dst(%arg8 : memref<80x128xf32, #tpu.memory_space<vmem>>)
      "tpu.region"() ({
        %run_scoped3A = tpu.sem_alloc : memref<!tpu.dma_semaphore, #tpu.memory_space<semaphore_mem>>
        %dma_start3A_29 = arith.constant 0 : i32
        %dma_start3A_30 = arith.constant 0 : i32
        %dma_start3A_31 = tpu.memref_slice %arg9[%dma_start3A_29, %dma_start3A_30] : memref<10000x128xf32, #tpu.memory_space<vmem_shared>> -> memref<10000x128xf32, #tpu.memory_space<vmem_shared>>
        tpu.enqueue_indirect_dma source(%arg8 : memref<80x128xf32, #tpu.memory_space<vmem>>) target(%dma_start3A_31 : memref<10000x128xf32, #tpu.memory_space<vmem_shared>>) offsets(%arg7 : memref<80xi32, #tpu.memory_space<vmem>>) semaphore(%run_scoped3A : memref<!tpu.dma_semaphore, #tpu.memory_space<semaphore_mem>>) {add = true}
        %dma_wait3A_32 = arith.constant 0 : i32
        %dma_wait3A_33 = arith.constant 0 : i32
        %dma_wait3A_34 = tpu.memref_slice %arg9[%dma_wait3A_32, %dma_wait3A_33] : memref<10000x128xf32, #tpu.memory_space<vmem_shared>> -> memref<10000x128xf32, #tpu.memory_space<vmem_shared>>
        tpu.wait_indirect_dma semaphore(%run_scoped3A : memref<!tpu.dma_semaphore, #tpu.memory_space<semaphore_mem>>) src(%arg8 : memref<80x128xf32, #tpu.memory_space<vmem>>) dst(%dma_wait3A_34 : memref<10000x128xf32, #tpu.memory_space<vmem_shared>>)
        tpu.yield
      }) : () -> ()
    }
    %scan3A_10 = arith.constant 125 : i32
    %barrier3A_11 = arith.constant 0 : index
    tpu.barrier barrier_id(%barrier3A_11)
    "tpu.region"() ({
      %run_scoped3A = tpu.sem_alloc : memref<!tpu.dma_semaphore, #tpu.memory_space<semaphore_mem>>
      %dma_start3A = arith.constant 0 : i32
      %dma_start3A_17 = arith.constant 0 : i32
      %dma_start3A_18 = tpu.memref_slice %arg5[%arg0, %dma_start3A, %dma_start3A_17] : memref<2x10000x128xf32, #tpu.memory_space<hbm>> -> memref<1x10000x128xf32, #tpu.memory_space<hbm>>
      %dma_start3A_19 = tpu.memref_squeeze %dma_start3A_18 : memref<1x10000x128xf32, #tpu.memory_space<hbm>> -> memref<10000x128xf32, #tpu.memory_space<hbm>>
      %dma_start3A_20 = arith.constant 0 : i32
      %dma_start3A_21 = tpu.memref_slice %dma_start3A_19[%mul3A_0, %dma_start3A_20] : memref<10000x128xf32, #tpu.memory_space<hbm>> -> memref<624x128xf32, #tpu.memory_space<hbm>>
      %dma_start3A_22 = arith.constant 0 : i32
      %dma_start3A_23 = tpu.memref_slice %arg9[%mul3A_0, %dma_start3A_22] : memref<10000x128xf32, #tpu.memory_space<vmem_shared>> -> memref<624x128xf32, #tpu.memory_space<vmem_shared>>
      tpu.enqueue_dma source(%dma_start3A_23 : memref<624x128xf32, #tpu.memory_space<vmem_shared>>) target(%dma_start3A_21 : memref<624x128xf32, #tpu.memory_space<hbm>>) target_semaphore(%run_scoped3A : memref<!tpu.dma_semaphore, #tpu.memory_space<semaphore_mem>>)
      %dma_wait3A = arith.constant 0 : i32
      %dma_wait3A_24 = arith.constant 0 : i32
      %dma_wait3A_25 = tpu.memref_slice %arg5[%arg0, %dma_wait3A, %dma_wait3A_24] : memref<2x10000x128xf32, #tpu.memory_space<hbm>> -> memref<1x10000x128xf32, #tpu.memory_space<hbm>>
      %dma_wait3A_26 = tpu.memref_squeeze %dma_wait3A_25 : memref<1x10000x128xf32, #tpu.memory_space<hbm>> -> memref<10000x128xf32, #tpu.memory_space<hbm>>
      %dma_wait3A_27 = arith.constant 0 : i32
      %dma_wait3A_28 = tpu.memref_slice %dma_wait3A_26[%mul3A_0, %dma_wait3A_27] : memref<10000x128xf32, #tpu.memory_space<hbm>> -> memref<624x128xf32, #tpu.memory_space<hbm>>
      %dma_wait3A_29 = arith.constant 0 : i32
      %dma_wait3A_30 = tpu.memref_slice %arg9[%mul3A_0, %dma_wait3A_29] : memref<10000x128xf32, #tpu.memory_space<vmem_shared>> -> memref<624x128xf32, #tpu.memory_space<vmem_shared>>
      tpu.wait_dma2 semaphore(%run_scoped3A : memref<!tpu.dma_semaphore, #tpu.memory_space<semaphore_mem>>) src(%dma_wait3A_30 : memref<624x128xf32, #tpu.memory_space<vmem_shared>>) dst(%dma_wait3A_28 : memref<624x128xf32, #tpu.memory_space<hbm>>)
      tpu.yield
    }) : () -> ()
    %eq3A_12 = arith.constant 15 : i32
    %eq3A_13 = arith.cmpi eq, %arg1, %eq3A_12 : i32
    %convert_element_type3A_14 = arith.extui %eq3A_13 : i1 to i32
    %cond3A_15 = arith.constant 0 : i32
    %cond3A_16 = arith.cmpi ne, %convert_element_type3A_14, %cond3A_15 : i32
    scf.if %cond3A_16 {
      "tpu.region"() ({
        %run_scoped3A = tpu.sem_alloc : memref<!tpu.dma_semaphore, #tpu.memory_space<semaphore_mem>>
        %dma_start3A = arith.constant 0 : i32
        %dma_start3A_17 = arith.constant 0 : i32
        %dma_start3A_18 = tpu.memref_slice %arg5[%arg0, %dma_start3A, %dma_start3A_17] : memref<2x10000x128xf32, #tpu.memory_space<hbm>> -> memref<1x10000x128xf32, #tpu.memory_space<hbm>>
        %dma_start3A_19 = tpu.memref_squeeze %dma_start3A_18 : memref<1x10000x128xf32, #tpu.memory_space<hbm>> -> memref<10000x128xf32, #tpu.memory_space<hbm>>
        %dma_start3A_20 = arith.constant 9984 : i32
        %dma_start3A_21 = arith.constant 0 : i32
        %dma_start3A_22 = tpu.memref_slice %dma_start3A_19[%dma_start3A_20, %dma_start3A_21] : memref<10000x128xf32, #tpu.memory_space<hbm>> -> memref<16x128xf32, #tpu.memory_space<hbm>>
        %dma_start3A_23 = arith.constant 9984 : i32
        %dma_start3A_24 = arith.constant 0 : i32
        %dma_start3A_25 = tpu.memref_slice %arg9[%dma_start3A_23, %dma_start3A_24] : memref<10000x128xf32, #tpu.memory_space<vmem_shared>> -> memref<16x128xf32, #tpu.memory_space<vmem_shared>>
        tpu.enqueue_dma source(%dma_start3A_25 : memref<16x128xf32, #tpu.memory_space<vmem_shared>>) target(%dma_start3A_22 : memref<16x128xf32, #tpu.memory_space<hbm>>) target_semaphore(%run_scoped3A : memref<!tpu.dma_semaphore, #tpu.memory_space<semaphore_mem>>)
        %dma_wait3A = arith.constant 0 : i32
        %dma_wait3A_26 = arith.constant 0 : i32
        %dma_wait3A_27 = tpu.memref_slice %arg5[%arg0, %dma_wait3A, %dma_wait3A_26] : memref<2x10000x128xf32, #tpu.memory_space<hbm>> -> memref<1x10000x128xf32, #tpu.memory_space<hbm>>
        %dma_wait3A_28 = tpu.memref_squeeze %dma_wait3A_27 : memref<1x10000x128xf32, #tpu.memory_space<hbm>> -> memref<10000x128xf32, #tpu.memory_space<hbm>>
        %dma_wait3A_29 = arith.constant 9984 : i32
        %dma_wait3A_30 = arith.constant 0 : i32
        %dma_wait3A_31 = tpu.memref_slice %dma_wait3A_28[%dma_wait3A_29, %dma_wait3A_30] : memref<10000x128xf32, #tpu.memory_space<hbm>> -> memref<16x128xf32, #tpu.memory_space<hbm>>
        %dma_wait3A_32 = arith.constant 9984 : i32
        %dma_wait3A_33 = arith.constant 0 : i32
        %dma_wait3A_34 = tpu.memref_slice %arg9[%dma_wait3A_32, %dma_wait3A_33] : memref<10000x128xf32, #tpu.memory_space<vmem_shared>> -> memref<16x128xf32, #tpu.memory_space<vmem_shared>>
        tpu.wait_dma2 semaphore(%run_scoped3A : memref<!tpu.dma_semaphore, #tpu.memory_space<semaphore_mem>>) src(%dma_wait3A_34 : memref<16x128xf32, #tpu.memory_space<vmem_shared>>) dst(%dma_wait3A_31 : memref<16x128xf32, #tpu.memory_space<hbm>>)
        tpu.yield
      }) : () -> ()
    } else {
    }
    return
  }
}

#map = affine_map<(d0, d1) -> (0, 0)>
#map1 = affine_map<(d0, d1) -> (0)>
#map2 = affine_map<(d0, d1) -> (0, 0, 0)>
module attributes {stable_mosaic.version = 14 : i64} {
  func.func @_agg_body(%arg0: i32, %arg1: i32, %arg2: memref<10000x128xf32, #tpu.memory_space<hbm>>, %arg3: memref<320000xi32, #tpu.memory_space<hbm>>, %arg4: memref<320000xi32, #tpu.memory_space<hbm>>, %arg5: memref<2x10000x128xf32, #tpu.memory_space<hbm>>, %arg6: memref<80xi32, #tpu.memory_space<vmem>>, %arg7: memref<80xi32, #tpu.memory_space<vmem>>, %arg8: memref<80x128xf32, #tpu.memory_space<vmem>>, %arg9: memref<10000x128xf32, #tpu.memory_space<vmem_shared>>, %arg10: memref<!tpu.dma_semaphore, #tpu.memory_space<semaphore_mem>>) attributes {dimension_semantics = [#tpu.dimension_semantics<core_parallel>, #tpu.dimension_semantics<subcore_parallel>], iteration_bounds = array<i64: 2, 16>, scalar_prefetch = 0 : i64, scratch_operands = 5 : i64, tpu.core_type = #tpu.core_type<sc_vector_subcore>, window_params = [{transform_indices = #map}, {transform_indices = #map1}, {transform_indices = #map1}, {transform_indices = #map2}]} {
    %mul3A = arith.constant 624 : i32
    %mul3A_0 = arith.muli %arg1, %mul3A : i32
    "tpu.region"() ({
      %run_scoped3A = tpu.sem_alloc : memref<!tpu.dma_semaphore, #tpu.memory_space<semaphore_mem>>
      %dma_start3A = arith.constant 0 : i32
      %dma_start3A_17 = tpu.memref_slice %arg9[%mul3A_0, %dma_start3A] : memref<10000x128xf32, #tpu.memory_space<vmem_shared>> -> memref<624x128xf32, #tpu.memory_space<vmem_shared>>
      %dma_start3A_18 = arith.constant 0 : i32
      %dma_start3A_19 = tpu.memref_slice %arg2[%mul3A_0, %dma_start3A_18] : memref<10000x128xf32, #tpu.memory_space<hbm>> -> memref<624x128xf32, #tpu.memory_space<hbm>>
      tpu.enqueue_dma source(%dma_start3A_19 : memref<624x128xf32, #tpu.memory_space<hbm>>) target(%dma_start3A_17 : memref<624x128xf32, #tpu.memory_space<vmem_shared>>) target_semaphore(%run_scoped3A : memref<!tpu.dma_semaphore, #tpu.memory_space<semaphore_mem>>)
      %dma_wait3A = arith.constant 0 : i32
      %dma_wait3A_20 = tpu.memref_slice %arg9[%mul3A_0, %dma_wait3A] : memref<10000x128xf32, #tpu.memory_space<vmem_shared>> -> memref<624x128xf32, #tpu.memory_space<vmem_shared>>
      %dma_wait3A_21 = arith.constant 0 : i32
      %dma_wait3A_22 = tpu.memref_slice %arg2[%mul3A_0, %dma_wait3A_21] : memref<10000x128xf32, #tpu.memory_space<hbm>> -> memref<624x128xf32, #tpu.memory_space<hbm>>
      tpu.wait_dma2 semaphore(%run_scoped3A : memref<!tpu.dma_semaphore, #tpu.memory_space<semaphore_mem>>) src(%dma_wait3A_22 : memref<624x128xf32, #tpu.memory_space<hbm>>) dst(%dma_wait3A_20 : memref<624x128xf32, #tpu.memory_space<vmem_shared>>)
      tpu.yield
    }) : () -> ()
    %eq3A = arith.constant 15 : i32
    %eq3A_1 = arith.cmpi eq, %arg1, %eq3A : i32
    %convert_element_type3A = arith.extui %eq3A_1 : i1 to i32
    %cond3A = arith.constant 0 : i32
    %cond3A_2 = arith.cmpi ne, %convert_element_type3A, %cond3A : i32
    scf.if %cond3A_2 {
      "tpu.region"() ({
        %run_scoped3A = tpu.sem_alloc : memref<!tpu.dma_semaphore, #tpu.memory_space<semaphore_mem>>
        %dma_start3A = arith.constant 9984 : i32
        %dma_start3A_17 = arith.constant 0 : i32
        %dma_start3A_18 = tpu.memref_slice %arg9[%dma_start3A, %dma_start3A_17] : memref<10000x128xf32, #tpu.memory_space<vmem_shared>> -> memref<16x128xf32, #tpu.memory_space<vmem_shared>>
        %dma_start3A_19 = arith.constant 9984 : i32
        %dma_start3A_20 = arith.constant 0 : i32
        %dma_start3A_21 = tpu.memref_slice %arg2[%dma_start3A_19, %dma_start3A_20] : memref<10000x128xf32, #tpu.memory_space<hbm>> -> memref<16x128xf32, #tpu.memory_space<hbm>>
        tpu.enqueue_dma source(%dma_start3A_21 : memref<16x128xf32, #tpu.memory_space<hbm>>) target(%dma_start3A_18 : memref<16x128xf32, #tpu.memory_space<vmem_shared>>) target_semaphore(%run_scoped3A : memref<!tpu.dma_semaphore, #tpu.memory_space<semaphore_mem>>)
        %dma_wait3A = arith.constant 9984 : i32
        %dma_wait3A_22 = arith.constant 0 : i32
        %dma_wait3A_23 = tpu.memref_slice %arg9[%dma_wait3A, %dma_wait3A_22] : memref<10000x128xf32, #tpu.memory_space<vmem_shared>> -> memref<16x128xf32, #tpu.memory_space<vmem_shared>>
        %dma_wait3A_24 = arith.constant 9984 : i32
        %dma_wait3A_25 = arith.constant 0 : i32
        %dma_wait3A_26 = tpu.memref_slice %arg2[%dma_wait3A_24, %dma_wait3A_25] : memref<10000x128xf32, #tpu.memory_space<hbm>> -> memref<16x128xf32, #tpu.memory_space<hbm>>
        tpu.wait_dma2 semaphore(%run_scoped3A : memref<!tpu.dma_semaphore, #tpu.memory_space<semaphore_mem>>) src(%dma_wait3A_26 : memref<16x128xf32, #tpu.memory_space<hbm>>) dst(%dma_wait3A_23 : memref<16x128xf32, #tpu.memory_space<vmem_shared>>)
        tpu.yield
      }) : () -> ()
    } else {
    }
    %barrier3A = arith.constant 0 : index
    tpu.barrier barrier_id(%barrier3A)
    %mul3A_3 = arith.constant 160000 : i32
    %mul3A_4 = arith.muli %arg0, %mul3A_3 : i32
    %mul3A_5 = arith.constant 10000 : i32
    %mul3A_6 = arith.muli %arg1, %mul3A_5 : i32
    %add3A = arith.addi %mul3A_4, %mul3A_6 : i32
    %scan3A = arith.constant 0 : i32
    %scan3A_7 = arith.constant 125 : i32
    %scan3A_8 = arith.addi %scan3A, %scan3A_7 : i32
    %scan3A_9 = arith.constant 1 : i32
    scf.for %scan3A_17 = %scan3A to %scan3A_8 step %scan3A_9  : i32 {
      %mul3A_18 = arith.constant 1 : i32
      %mul3A_19 = arith.muli %scan3A_17, %mul3A_18 : i32
      %add3A_20 = arith.constant 0 : i32
      %add3A_21 = arith.addi %add3A_20, %mul3A_19 : i32
      %mul3A_22 = arith.constant 80 : i32
      %mul3A_23 = arith.muli %add3A_21, %mul3A_22 : i32
      %add3A_24 = arith.addi %add3A, %mul3A_23 : i32
      "tpu.region"() ({
        %run_scoped3A = tpu.sem_alloc : memref<!tpu.dma_semaphore, #tpu.memory_space<semaphore_mem>>
        %dma_start3A_29 = tpu.memref_slice %arg3[%add3A_24] : memref<320000xi32, #tpu.memory_space<hbm>> -> memref<80xi32, #tpu.memory_space<hbm>>
        %dma_start3A_30 = tpu.memref_slice %arg3[%add3A_24] : memref<320000xi32, #tpu.memory_space<hbm>> -> memref<80xi32, #tpu.memory_space<hbm>>
        tpu.enqueue_dma source(%dma_start3A_30 : memref<80xi32, #tpu.memory_space<hbm>>) target(%arg6 : memref<80xi32, #tpu.memory_space<vmem>>) target_semaphore(%run_scoped3A : memref<!tpu.dma_semaphore, #tpu.memory_space<semaphore_mem>>)
        %dma_wait3A_31 = tpu.memref_slice %arg3[%add3A_24] : memref<320000xi32, #tpu.memory_space<hbm>> -> memref<80xi32, #tpu.memory_space<hbm>>
        %dma_wait3A_32 = tpu.memref_slice %arg3[%add3A_24] : memref<320000xi32, #tpu.memory_space<hbm>> -> memref<80xi32, #tpu.memory_space<hbm>>
        tpu.wait_dma2 semaphore(%run_scoped3A : memref<!tpu.dma_semaphore, #tpu.memory_space<semaphore_mem>>) src(%dma_wait3A_32 : memref<80xi32, #tpu.memory_space<hbm>>) dst(%arg6 : memref<80xi32, #tpu.memory_space<vmem>>)
        tpu.yield
      }) : () -> ()
      "tpu.region"() ({
        %run_scoped3A = tpu.sem_alloc : memref<!tpu.dma_semaphore, #tpu.memory_space<semaphore_mem>>
        %dma_start3A_29 = tpu.memref_slice %arg4[%add3A_24] : memref<320000xi32, #tpu.memory_space<hbm>> -> memref<80xi32, #tpu.memory_space<hbm>>
        %dma_start3A_30 = tpu.memref_slice %arg4[%add3A_24] : memref<320000xi32, #tpu.memory_space<hbm>> -> memref<80xi32, #tpu.memory_space<hbm>>
        tpu.enqueue_dma source(%dma_start3A_30 : memref<80xi32, #tpu.memory_space<hbm>>) target(%arg7 : memref<80xi32, #tpu.memory_space<vmem>>) target_semaphore(%run_scoped3A : memref<!tpu.dma_semaphore, #tpu.memory_space<semaphore_mem>>)
        %dma_wait3A_31 = tpu.memref_slice %arg4[%add3A_24] : memref<320000xi32, #tpu.memory_space<hbm>> -> memref<80xi32, #tpu.memory_space<hbm>>
        %dma_wait3A_32 = tpu.memref_slice %arg4[%add3A_24] : memref<320000xi32, #tpu.memory_space<hbm>> -> memref<80xi32, #tpu.memory_space<hbm>>
        tpu.wait_dma2 semaphore(%run_scoped3A : memref<!tpu.dma_semaphore, #tpu.memory_space<semaphore_mem>>) src(%dma_wait3A_32 : memref<80xi32, #tpu.memory_space<hbm>>) dst(%arg7 : memref<80xi32, #tpu.memory_space<vmem>>)
        tpu.yield
      }) : () -> ()
      %dma_start3A = arith.constant 0 : i32
      %dma_start3A_25 = arith.constant 0 : i32
      %dma_start3A_26 = tpu.memref_slice %arg2[%dma_start3A, %dma_start3A_25] : memref<10000x128xf32, #tpu.memory_space<hbm>> -> memref<10000x128xf32, #tpu.memory_space<hbm>>
      tpu.enqueue_indirect_dma source(%dma_start3A_26 : memref<10000x128xf32, #tpu.memory_space<hbm>>) target(%arg8 : memref<80x128xf32, #tpu.memory_space<vmem>>) offsets(%arg6 : memref<80xi32, #tpu.memory_space<vmem>>) semaphore(%arg10 : memref<!tpu.dma_semaphore, #tpu.memory_space<semaphore_mem>>)
      %dma_wait3A = arith.constant 0 : i32
      %dma_wait3A_27 = arith.constant 0 : i32
      %dma_wait3A_28 = tpu.memref_slice %arg2[%dma_wait3A, %dma_wait3A_27] : memref<10000x128xf32, #tpu.memory_space<hbm>> -> memref<10000x128xf32, #tpu.memory_space<hbm>>
      tpu.wait_indirect_dma semaphore(%arg10 : memref<!tpu.dma_semaphore, #tpu.memory_space<semaphore_mem>>) src(%dma_wait3A_28 : memref<10000x128xf32, #tpu.memory_space<hbm>>) dst(%arg8 : memref<80x128xf32, #tpu.memory_space<vmem>>)
      "tpu.region"() ({
        %run_scoped3A = tpu.sem_alloc : memref<!tpu.dma_semaphore, #tpu.memory_space<semaphore_mem>>
        %dma_start3A_29 = arith.constant 0 : i32
        %dma_start3A_30 = arith.constant 0 : i32
        %dma_start3A_31 = tpu.memref_slice %arg9[%dma_start3A_29, %dma_start3A_30] : memref<10000x128xf32, #tpu.memory_space<vmem_shared>> -> memref<10000x128xf32, #tpu.memory_space<vmem_shared>>
        tpu.enqueue_indirect_dma source(%arg8 : memref<80x128xf32, #tpu.memory_space<vmem>>) target(%dma_start3A_31 : memref<10000x128xf32, #tpu.memory_space<vmem_shared>>) offsets(%arg7 : memref<80xi32, #tpu.memory_space<vmem>>) semaphore(%run_scoped3A : memref<!tpu.dma_semaphore, #tpu.memory_space<semaphore_mem>>) {add = true}
        %dma_wait3A_32 = arith.constant 0 : i32
        %dma_wait3A_33 = arith.constant 0 : i32
        %dma_wait3A_34 = tpu.memref_slice %arg9[%dma_wait3A_32, %dma_wait3A_33] : memref<10000x128xf32, #tpu.memory_space<vmem_shared>> -> memref<10000x128xf32, #tpu.memory_space<vmem_shared>>
        tpu.wait_indirect_dma semaphore(%run_scoped3A : memref<!tpu.dma_semaphore, #tpu.memory_space<semaphore_mem>>) src(%arg8 : memref<80x128xf32, #tpu.memory_space<vmem>>) dst(%dma_wait3A_34 : memref<10000x128xf32, #tpu.memory_space<vmem_shared>>)
        tpu.yield
      }) : () -> ()
    }
    %scan3A_10 = arith.constant 125 : i32
    %barrier3A_11 = arith.constant 0 : index
    tpu.barrier barrier_id(%barrier3A_11)
    "tpu.region"() ({
      %run_scoped3A = tpu.sem_alloc : memref<!tpu.dma_semaphore, #tpu.memory_space<semaphore_mem>>
      %dma_start3A = arith.constant 0 : i32
      %dma_start3A_17 = arith.constant 0 : i32
      %dma_start3A_18 = tpu.memref_slice %arg5[%arg0, %dma_start3A, %dma_start3A_17] : memref<2x10000x128xf32, #tpu.memory_space<hbm>> -> memref<1x10000x128xf32, #tpu.memory_space<hbm>>
      %dma_start3A_19 = tpu.memref_squeeze %dma_start3A_18 : memref<1x10000x128xf32, #tpu.memory_space<hbm>> -> memref<10000x128xf32, #tpu.memory_space<hbm>>
      %dma_start3A_20 = arith.constant 0 : i32
      %dma_start3A_21 = tpu.memref_slice %dma_start3A_19[%mul3A_0, %dma_start3A_20] : memref<10000x128xf32, #tpu.memory_space<hbm>> -> memref<624x128xf32, #tpu.memory_space<hbm>>
      %dma_start3A_22 = arith.constant 0 : i32
      %dma_start3A_23 = tpu.memref_slice %arg9[%mul3A_0, %dma_start3A_22] : memref<10000x128xf32, #tpu.memory_space<vmem_shared>> -> memref<624x128xf32, #tpu.memory_space<vmem_shared>>
      tpu.enqueue_dma source(%dma_start3A_23 : memref<624x128xf32, #tpu.memory_space<vmem_shared>>) target(%dma_start3A_21 : memref<624x128xf32, #tpu.memory_space<hbm>>) target_semaphore(%run_scoped3A : memref<!tpu.dma_semaphore, #tpu.memory_space<semaphore_mem>>)
      %dma_wait3A = arith.constant 0 : i32
      %dma_wait3A_24 = arith.constant 0 : i32
      %dma_wait3A_25 = tpu.memref_slice %arg5[%arg0, %dma_wait3A, %dma_wait3A_24] : memref<2x10000x128xf32, #tpu.memory_space<hbm>> -> memref<1x10000x128xf32, #tpu.memory_space<hbm>>
      %dma_wait3A_26 = tpu.memref_squeeze %dma_wait3A_25 : memref<1x10000x128xf32, #tpu.memory_space<hbm>> -> memref<10000x128xf32, #tpu.memory_space<hbm>>
      %dma_wait3A_27 = arith.constant 0 : i32
      %dma_wait3A_28 = tpu.memref_slice %dma_wait3A_26[%mul3A_0, %dma_wait3A_27] : memref<10000x128xf32, #tpu.memory_space<hbm>> -> memref<624x128xf32, #tpu.memory_space<hbm>>
      %dma_wait3A_29 = arith.constant 0 : i32
      %dma_wait3A_30 = tpu.memref_slice %arg9[%mul3A_0, %dma_wait3A_29] : memref<10000x128xf32, #tpu.memory_space<vmem_shared>> -> memref<624x128xf32, #tpu.memory_space<vmem_shared>>
      tpu.wait_dma2 semaphore(%run_scoped3A : memref<!tpu.dma_semaphore, #tpu.memory_space<semaphore_mem>>) src(%dma_wait3A_30 : memref<624x128xf32, #tpu.memory_space<vmem_shared>>) dst(%dma_wait3A_28 : memref<624x128xf32, #tpu.memory_space<hbm>>)
      tpu.yield
    }) : () -> ()
    %eq3A_12 = arith.constant 15 : i32
    %eq3A_13 = arith.cmpi eq, %arg1, %eq3A_12 : i32
    %convert_element_type3A_14 = arith.extui %eq3A_13 : i1 to i32
    %cond3A_15 = arith.constant 0 : i32
    %cond3A_16 = arith.cmpi ne, %convert_element_type3A_14, %cond3A_15 : i32
    scf.if %cond3A_16 {
      "tpu.region"() ({
        %run_scoped3A = tpu.sem_alloc : memref<!tpu.dma_semaphore, #tpu.memory_space<semaphore_mem>>
        %dma_start3A = arith.constant 0 : i32
        %dma_start3A_17 = arith.constant 0 : i32
        %dma_start3A_18 = tpu.memref_slice %arg5[%arg0, %dma_start3A, %dma_start3A_17] : memref<2x10000x128xf32, #tpu.memory_space<hbm>> -> memref<1x10000x128xf32, #tpu.memory_space<hbm>>
        %dma_start3A_19 = tpu.memref_squeeze %dma_start3A_18 : memref<1x10000x128xf32, #tpu.memory_space<hbm>> -> memref<10000x128xf32, #tpu.memory_space<hbm>>
        %dma_start3A_20 = arith.constant 9984 : i32
        %dma_start3A_21 = arith.constant 0 : i32
        %dma_start3A_22 = tpu.memref_slice %dma_start3A_19[%dma_start3A_20, %dma_start3A_21] : memref<10000x128xf32, #tpu.memory_space<hbm>> -> memref<16x128xf32, #tpu.memory_space<hbm>>
        %dma_start3A_23 = arith.constant 9984 : i32
        %dma_start3A_24 = arith.constant 0 : i32
        %dma_start3A_25 = tpu.memref_slice %arg9[%dma_start3A_23, %dma_start3A_24] : memref<10000x128xf32, #tpu.memory_space<vmem_shared>> -> memref<16x128xf32, #tpu.memory_space<vmem_shared>>
        tpu.enqueue_dma source(%dma_start3A_25 : memref<16x128xf32, #tpu.memory_space<vmem_shared>>) target(%dma_start3A_22 : memref<16x128xf32, #tpu.memory_space<hbm>>) target_semaphore(%run_scoped3A : memref<!tpu.dma_semaphore, #tpu.memory_space<semaphore_mem>>)
        %dma_wait3A = arith.constant 0 : i32
        %dma_wait3A_26 = arith.constant 0 : i32
        %dma_wait3A_27 = tpu.memref_slice %arg5[%arg0, %dma_wait3A, %dma_wait3A_26] : memref<2x10000x128xf32, #tpu.memory_space<hbm>> -> memref<1x10000x128xf32, #tpu.memory_space<hbm>>
        %dma_wait3A_28 = tpu.memref_squeeze %dma_wait3A_27 : memref<1x10000x128xf32, #tpu.memory_space<hbm>> -> memref<10000x128xf32, #tpu.memory_space<hbm>>
        %dma_wait3A_29 = arith.constant 9984 : i32
        %dma_wait3A_30 = arith.constant 0 : i32
        %dma_wait3A_31 = tpu.memref_slice %dma_wait3A_28[%dma_wait3A_29, %dma_wait3A_30] : memref<10000x128xf32, #tpu.memory_space<hbm>> -> memref<16x128xf32, #tpu.memory_space<hbm>>
        %dma_wait3A_32 = arith.constant 9984 : i32
        %dma_wait3A_33 = arith.constant 0 : i32
        %dma_wait3A_34 = tpu.memref_slice %arg9[%dma_wait3A_32, %dma_wait3A_33] : memref<10000x128xf32, #tpu.memory_space<vmem_shared>> -> memref<16x128xf32, #tpu.memory_space<vmem_shared>>
        tpu.wait_dma2 semaphore(%run_scoped3A : memref<!tpu.dma_semaphore, #tpu.memory_space<semaphore_mem>>) src(%dma_wait3A_34 : memref<16x128xf32, #tpu.memory_space<vmem_shared>>) dst(%dma_wait3A_31 : memref<16x128xf32, #tpu.memory_space<hbm>>)
        tpu.yield
      }) : () -> ()
    } else {
    }
    return
  }
}

#map = affine_map<(d0, d1) -> (0, 0)>
#map1 = affine_map<(d0, d1) -> (0)>
#map2 = affine_map<(d0, d1) -> (0, 0, 0)>
module attributes {stable_mosaic.version = 14 : i64} {
  func.func @_agg_body(%arg0: i32, %arg1: i32, %arg2: memref<10000x128xf32, #tpu.memory_space<hbm>>, %arg3: memref<320000xi32, #tpu.memory_space<hbm>>, %arg4: memref<320000xi32, #tpu.memory_space<hbm>>, %arg5: memref<2x10000x128xf32, #tpu.memory_space<hbm>>, %arg6: memref<80xi32, #tpu.memory_space<vmem>>, %arg7: memref<80xi32, #tpu.memory_space<vmem>>, %arg8: memref<80x128xf32, #tpu.memory_space<vmem>>, %arg9: memref<10000x128xf32, #tpu.memory_space<vmem_shared>>, %arg10: memref<!tpu.dma_semaphore, #tpu.memory_space<semaphore_mem>>) attributes {dimension_semantics = [#tpu.dimension_semantics<core_parallel>, #tpu.dimension_semantics<subcore_parallel>], iteration_bounds = array<i64: 2, 16>, scalar_prefetch = 0 : i64, scratch_operands = 5 : i64, tpu.core_type = #tpu.core_type<sc_vector_subcore>, window_params = [{transform_indices = #map}, {transform_indices = #map1}, {transform_indices = #map1}, {transform_indices = #map2}]} {
    %mul3A = arith.constant 624 : i32
    %mul3A_0 = arith.muli %arg1, %mul3A : i32
    "tpu.region"() ({
      %run_scoped3A = tpu.sem_alloc : memref<!tpu.dma_semaphore, #tpu.memory_space<semaphore_mem>>
      %dma_start3A = arith.constant 0 : i32
      %dma_start3A_17 = tpu.memref_slice %arg9[%mul3A_0, %dma_start3A] : memref<10000x128xf32, #tpu.memory_space<vmem_shared>> -> memref<624x128xf32, #tpu.memory_space<vmem_shared>>
      %dma_start3A_18 = arith.constant 0 : i32
      %dma_start3A_19 = tpu.memref_slice %arg2[%mul3A_0, %dma_start3A_18] : memref<10000x128xf32, #tpu.memory_space<hbm>> -> memref<624x128xf32, #tpu.memory_space<hbm>>
      tpu.enqueue_dma source(%dma_start3A_19 : memref<624x128xf32, #tpu.memory_space<hbm>>) target(%dma_start3A_17 : memref<624x128xf32, #tpu.memory_space<vmem_shared>>) target_semaphore(%run_scoped3A : memref<!tpu.dma_semaphore, #tpu.memory_space<semaphore_mem>>)
      %dma_wait3A = arith.constant 0 : i32
      %dma_wait3A_20 = tpu.memref_slice %arg9[%mul3A_0, %dma_wait3A] : memref<10000x128xf32, #tpu.memory_space<vmem_shared>> -> memref<624x128xf32, #tpu.memory_space<vmem_shared>>
      %dma_wait3A_21 = arith.constant 0 : i32
      %dma_wait3A_22 = tpu.memref_slice %arg2[%mul3A_0, %dma_wait3A_21] : memref<10000x128xf32, #tpu.memory_space<hbm>> -> memref<624x128xf32, #tpu.memory_space<hbm>>
      tpu.wait_dma2 semaphore(%run_scoped3A : memref<!tpu.dma_semaphore, #tpu.memory_space<semaphore_mem>>) src(%dma_wait3A_22 : memref<624x128xf32, #tpu.memory_space<hbm>>) dst(%dma_wait3A_20 : memref<624x128xf32, #tpu.memory_space<vmem_shared>>)
      tpu.yield
    }) : () -> ()
    %eq3A = arith.constant 15 : i32
    %eq3A_1 = arith.cmpi eq, %arg1, %eq3A : i32
    %convert_element_type3A = arith.extui %eq3A_1 : i1 to i32
    %cond3A = arith.constant 0 : i32
    %cond3A_2 = arith.cmpi ne, %convert_element_type3A, %cond3A : i32
    scf.if %cond3A_2 {
      "tpu.region"() ({
        %run_scoped3A = tpu.sem_alloc : memref<!tpu.dma_semaphore, #tpu.memory_space<semaphore_mem>>
        %dma_start3A = arith.constant 9984 : i32
        %dma_start3A_17 = arith.constant 0 : i32
        %dma_start3A_18 = tpu.memref_slice %arg9[%dma_start3A, %dma_start3A_17] : memref<10000x128xf32, #tpu.memory_space<vmem_shared>> -> memref<16x128xf32, #tpu.memory_space<vmem_shared>>
        %dma_start3A_19 = arith.constant 9984 : i32
        %dma_start3A_20 = arith.constant 0 : i32
        %dma_start3A_21 = tpu.memref_slice %arg2[%dma_start3A_19, %dma_start3A_20] : memref<10000x128xf32, #tpu.memory_space<hbm>> -> memref<16x128xf32, #tpu.memory_space<hbm>>
        tpu.enqueue_dma source(%dma_start3A_21 : memref<16x128xf32, #tpu.memory_space<hbm>>) target(%dma_start3A_18 : memref<16x128xf32, #tpu.memory_space<vmem_shared>>) target_semaphore(%run_scoped3A : memref<!tpu.dma_semaphore, #tpu.memory_space<semaphore_mem>>)
        %dma_wait3A = arith.constant 9984 : i32
        %dma_wait3A_22 = arith.constant 0 : i32
        %dma_wait3A_23 = tpu.memref_slice %arg9[%dma_wait3A, %dma_wait3A_22] : memref<10000x128xf32, #tpu.memory_space<vmem_shared>> -> memref<16x128xf32, #tpu.memory_space<vmem_shared>>
        %dma_wait3A_24 = arith.constant 9984 : i32
        %dma_wait3A_25 = arith.constant 0 : i32
        %dma_wait3A_26 = tpu.memref_slice %arg2[%dma_wait3A_24, %dma_wait3A_25] : memref<10000x128xf32, #tpu.memory_space<hbm>> -> memref<16x128xf32, #tpu.memory_space<hbm>>
        tpu.wait_dma2 semaphore(%run_scoped3A : memref<!tpu.dma_semaphore, #tpu.memory_space<semaphore_mem>>) src(%dma_wait3A_26 : memref<16x128xf32, #tpu.memory_space<hbm>>) dst(%dma_wait3A_23 : memref<16x128xf32, #tpu.memory_space<vmem_shared>>)
        tpu.yield
      }) : () -> ()
    } else {
    }
    %barrier3A = arith.constant 0 : index
    tpu.barrier barrier_id(%barrier3A)
    %mul3A_3 = arith.constant 160000 : i32
    %mul3A_4 = arith.muli %arg0, %mul3A_3 : i32
    %mul3A_5 = arith.constant 10000 : i32
    %mul3A_6 = arith.muli %arg1, %mul3A_5 : i32
    %add3A = arith.addi %mul3A_4, %mul3A_6 : i32
    %scan3A = arith.constant 0 : i32
    %scan3A_7 = arith.constant 125 : i32
    %scan3A_8 = arith.addi %scan3A, %scan3A_7 : i32
    %scan3A_9 = arith.constant 1 : i32
    scf.for %scan3A_17 = %scan3A to %scan3A_8 step %scan3A_9  : i32 {
      %mul3A_18 = arith.constant 1 : i32
      %mul3A_19 = arith.muli %scan3A_17, %mul3A_18 : i32
      %add3A_20 = arith.constant 0 : i32
      %add3A_21 = arith.addi %add3A_20, %mul3A_19 : i32
      %mul3A_22 = arith.constant 80 : i32
      %mul3A_23 = arith.muli %add3A_21, %mul3A_22 : i32
      %add3A_24 = arith.addi %add3A, %mul3A_23 : i32
      "tpu.region"() ({
        %run_scoped3A = tpu.sem_alloc : memref<!tpu.dma_semaphore, #tpu.memory_space<semaphore_mem>>
        %dma_start3A_29 = tpu.memref_slice %arg3[%add3A_24] : memref<320000xi32, #tpu.memory_space<hbm>> -> memref<80xi32, #tpu.memory_space<hbm>>
        %dma_start3A_30 = tpu.memref_slice %arg3[%add3A_24] : memref<320000xi32, #tpu.memory_space<hbm>> -> memref<80xi32, #tpu.memory_space<hbm>>
        tpu.enqueue_dma source(%dma_start3A_30 : memref<80xi32, #tpu.memory_space<hbm>>) target(%arg6 : memref<80xi32, #tpu.memory_space<vmem>>) target_semaphore(%run_scoped3A : memref<!tpu.dma_semaphore, #tpu.memory_space<semaphore_mem>>)
        %dma_wait3A_31 = tpu.memref_slice %arg3[%add3A_24] : memref<320000xi32, #tpu.memory_space<hbm>> -> memref<80xi32, #tpu.memory_space<hbm>>
        %dma_wait3A_32 = tpu.memref_slice %arg3[%add3A_24] : memref<320000xi32, #tpu.memory_space<hbm>> -> memref<80xi32, #tpu.memory_space<hbm>>
        tpu.wait_dma2 semaphore(%run_scoped3A : memref<!tpu.dma_semaphore, #tpu.memory_space<semaphore_mem>>) src(%dma_wait3A_32 : memref<80xi32, #tpu.memory_space<hbm>>) dst(%arg6 : memref<80xi32, #tpu.memory_space<vmem>>)
        tpu.yield
      }) : () -> ()
      "tpu.region"() ({
        %run_scoped3A = tpu.sem_alloc : memref<!tpu.dma_semaphore, #tpu.memory_space<semaphore_mem>>
        %dma_start3A_29 = tpu.memref_slice %arg4[%add3A_24] : memref<320000xi32, #tpu.memory_space<hbm>> -> memref<80xi32, #tpu.memory_space<hbm>>
        %dma_start3A_30 = tpu.memref_slice %arg4[%add3A_24] : memref<320000xi32, #tpu.memory_space<hbm>> -> memref<80xi32, #tpu.memory_space<hbm>>
        tpu.enqueue_dma source(%dma_start3A_30 : memref<80xi32, #tpu.memory_space<hbm>>) target(%arg7 : memref<80xi32, #tpu.memory_space<vmem>>) target_semaphore(%run_scoped3A : memref<!tpu.dma_semaphore, #tpu.memory_space<semaphore_mem>>)
        %dma_wait3A_31 = tpu.memref_slice %arg4[%add3A_24] : memref<320000xi32, #tpu.memory_space<hbm>> -> memref<80xi32, #tpu.memory_space<hbm>>
        %dma_wait3A_32 = tpu.memref_slice %arg4[%add3A_24] : memref<320000xi32, #tpu.memory_space<hbm>> -> memref<80xi32, #tpu.memory_space<hbm>>
        tpu.wait_dma2 semaphore(%run_scoped3A : memref<!tpu.dma_semaphore, #tpu.memory_space<semaphore_mem>>) src(%dma_wait3A_32 : memref<80xi32, #tpu.memory_space<hbm>>) dst(%arg7 : memref<80xi32, #tpu.memory_space<vmem>>)
        tpu.yield
      }) : () -> ()
      %dma_start3A = arith.constant 0 : i32
      %dma_start3A_25 = arith.constant 0 : i32
      %dma_start3A_26 = tpu.memref_slice %arg2[%dma_start3A, %dma_start3A_25] : memref<10000x128xf32, #tpu.memory_space<hbm>> -> memref<10000x128xf32, #tpu.memory_space<hbm>>
      tpu.enqueue_indirect_dma source(%dma_start3A_26 : memref<10000x128xf32, #tpu.memory_space<hbm>>) target(%arg8 : memref<80x128xf32, #tpu.memory_space<vmem>>) offsets(%arg6 : memref<80xi32, #tpu.memory_space<vmem>>) semaphore(%arg10 : memref<!tpu.dma_semaphore, #tpu.memory_space<semaphore_mem>>)
      %dma_wait3A = arith.constant 0 : i32
      %dma_wait3A_27 = arith.constant 0 : i32
      %dma_wait3A_28 = tpu.memref_slice %arg2[%dma_wait3A, %dma_wait3A_27] : memref<10000x128xf32, #tpu.memory_space<hbm>> -> memref<10000x128xf32, #tpu.memory_space<hbm>>
      tpu.wait_indirect_dma semaphore(%arg10 : memref<!tpu.dma_semaphore, #tpu.memory_space<semaphore_mem>>) src(%dma_wait3A_28 : memref<10000x128xf32, #tpu.memory_space<hbm>>) dst(%arg8 : memref<80x128xf32, #tpu.memory_space<vmem>>)
      "tpu.region"() ({
        %run_scoped3A = tpu.sem_alloc : memref<!tpu.dma_semaphore, #tpu.memory_space<semaphore_mem>>
        %dma_start3A_29 = arith.constant 0 : i32
        %dma_start3A_30 = arith.constant 0 : i32
        %dma_start3A_31 = tpu.memref_slice %arg9[%dma_start3A_29, %dma_start3A_30] : memref<10000x128xf32, #tpu.memory_space<vmem_shared>> -> memref<10000x128xf32, #tpu.memory_space<vmem_shared>>
        tpu.enqueue_indirect_dma source(%arg8 : memref<80x128xf32, #tpu.memory_space<vmem>>) target(%dma_start3A_31 : memref<10000x128xf32, #tpu.memory_space<vmem_shared>>) offsets(%arg7 : memref<80xi32, #tpu.memory_space<vmem>>) semaphore(%run_scoped3A : memref<!tpu.dma_semaphore, #tpu.memory_space<semaphore_mem>>) {add = true}
        %dma_wait3A_32 = arith.constant 0 : i32
        %dma_wait3A_33 = arith.constant 0 : i32
        %dma_wait3A_34 = tpu.memref_slice %arg9[%dma_wait3A_32, %dma_wait3A_33] : memref<10000x128xf32, #tpu.memory_space<vmem_shared>> -> memref<10000x128xf32, #tpu.memory_space<vmem_shared>>
        tpu.wait_indirect_dma semaphore(%run_scoped3A : memref<!tpu.dma_semaphore, #tpu.memory_space<semaphore_mem>>) src(%arg8 : memref<80x128xf32, #tpu.memory_space<vmem>>) dst(%dma_wait3A_34 : memref<10000x128xf32, #tpu.memory_space<vmem_shared>>)
        tpu.yield
      }) : () -> ()
    }
    %scan3A_10 = arith.constant 125 : i32
    %barrier3A_11 = arith.constant 0 : index
    tpu.barrier barrier_id(%barrier3A_11)
    "tpu.region"() ({
      %run_scoped3A = tpu.sem_alloc : memref<!tpu.dma_semaphore, #tpu.memory_space<semaphore_mem>>
      %dma_start3A = arith.constant 0 : i32
      %dma_start3A_17 = arith.constant 0 : i32
      %dma_start3A_18 = tpu.memref_slice %arg5[%arg0, %dma_start3A, %dma_start3A_17] : memref<2x10000x128xf32, #tpu.memory_space<hbm>> -> memref<1x10000x128xf32, #tpu.memory_space<hbm>>
      %dma_start3A_19 = tpu.memref_squeeze %dma_start3A_18 : memref<1x10000x128xf32, #tpu.memory_space<hbm>> -> memref<10000x128xf32, #tpu.memory_space<hbm>>
      %dma_start3A_20 = arith.constant 0 : i32
      %dma_start3A_21 = tpu.memref_slice %dma_start3A_19[%mul3A_0, %dma_start3A_20] : memref<10000x128xf32, #tpu.memory_space<hbm>> -> memref<624x128xf32, #tpu.memory_space<hbm>>
      %dma_start3A_22 = arith.constant 0 : i32
      %dma_start3A_23 = tpu.memref_slice %arg9[%mul3A_0, %dma_start3A_22] : memref<10000x128xf32, #tpu.memory_space<vmem_shared>> -> memref<624x128xf32, #tpu.memory_space<vmem_shared>>
      tpu.enqueue_dma source(%dma_start3A_23 : memref<624x128xf32, #tpu.memory_space<vmem_shared>>) target(%dma_start3A_21 : memref<624x128xf32, #tpu.memory_space<hbm>>) target_semaphore(%run_scoped3A : memref<!tpu.dma_semaphore, #tpu.memory_space<semaphore_mem>>)
      %dma_wait3A = arith.constant 0 : i32
      %dma_wait3A_24 = arith.constant 0 : i32
      %dma_wait3A_25 = tpu.memref_slice %arg5[%arg0, %dma_wait3A, %dma_wait3A_24] : memref<2x10000x128xf32, #tpu.memory_space<hbm>> -> memref<1x10000x128xf32, #tpu.memory_space<hbm>>
      %dma_wait3A_26 = tpu.memref_squeeze %dma_wait3A_25 : memref<1x10000x128xf32, #tpu.memory_space<hbm>> -> memref<10000x128xf32, #tpu.memory_space<hbm>>
      %dma_wait3A_27 = arith.constant 0 : i32
      %dma_wait3A_28 = tpu.memref_slice %dma_wait3A_26[%mul3A_0, %dma_wait3A_27] : memref<10000x128xf32, #tpu.memory_space<hbm>> -> memref<624x128xf32, #tpu.memory_space<hbm>>
      %dma_wait3A_29 = arith.constant 0 : i32
      %dma_wait3A_30 = tpu.memref_slice %arg9[%mul3A_0, %dma_wait3A_29] : memref<10000x128xf32, #tpu.memory_space<vmem_shared>> -> memref<624x128xf32, #tpu.memory_space<vmem_shared>>
      tpu.wait_dma2 semaphore(%run_scoped3A : memref<!tpu.dma_semaphore, #tpu.memory_space<semaphore_mem>>) src(%dma_wait3A_30 : memref<624x128xf32, #tpu.memory_space<vmem_shared>>) dst(%dma_wait3A_28 : memref<624x128xf32, #tpu.memory_space<hbm>>)
      tpu.yield
    }) : () -> ()
    %eq3A_12 = arith.constant 15 : i32
    %eq3A_13 = arith.cmpi eq, %arg1, %eq3A_12 : i32
    %convert_element_type3A_14 = arith.extui %eq3A_13 : i1 to i32
    %cond3A_15 = arith.constant 0 : i32
    %cond3A_16 = arith.cmpi ne, %convert_element_type3A_14, %cond3A_15 : i32
    scf.if %cond3A_16 {
      "tpu.region"() ({
        %run_scoped3A = tpu.sem_alloc : memref<!tpu.dma_semaphore, #tpu.memory_space<semaphore_mem>>
        %dma_start3A = arith.constant 0 : i32
        %dma_start3A_17 = arith.constant 0 : i32
        %dma_start3A_18 = tpu.memref_slice %arg5[%arg0, %dma_start3A, %dma_start3A_17] : memref<2x10000x128xf32, #tpu.memory_space<hbm>> -> memref<1x10000x128xf32, #tpu.memory_space<hbm>>
        %dma_start3A_19 = tpu.memref_squeeze %dma_start3A_18 : memref<1x10000x128xf32, #tpu.memory_space<hbm>> -> memref<10000x128xf32, #tpu.memory_space<hbm>>
        %dma_start3A_20 = arith.constant 9984 : i32
        %dma_start3A_21 = arith.constant 0 : i32
        %dma_start3A_22 = tpu.memref_slice %dma_start3A_19[%dma_start3A_20, %dma_start3A_21] : memref<10000x128xf32, #tpu.memory_space<hbm>> -> memref<16x128xf32, #tpu.memory_space<hbm>>
        %dma_start3A_23 = arith.constant 9984 : i32
        %dma_start3A_24 = arith.constant 0 : i32
        %dma_start3A_25 = tpu.memref_slice %arg9[%dma_start3A_23, %dma_start3A_24] : memref<10000x128xf32, #tpu.memory_space<vmem_shared>> -> memref<16x128xf32, #tpu.memory_space<vmem_shared>>
        tpu.enqueue_dma source(%dma_start3A_25 : memref<16x128xf32, #tpu.memory_space<vmem_shared>>) target(%dma_start3A_22 : memref<16x128xf32, #tpu.memory_space<hbm>>) target_semaphore(%run_scoped3A : memref<!tpu.dma_semaphore, #tpu.memory_space<semaphore_mem>>)
        %dma_wait3A = arith.constant 0 : i32
        %dma_wait3A_26 = arith.constant 0 : i32
        %dma_wait3A_27 = tpu.memref_slice %arg5[%arg0, %dma_wait3A, %dma_wait3A_26] : memref<2x10000x128xf32, #tpu.memory_space<hbm>> -> memref<1x10000x128xf32, #tpu.memory_space<hbm>>
        %dma_wait3A_28 = tpu.memref_squeeze %dma_wait3A_27 : memref<1x10000x128xf32, #tpu.memory_space<hbm>> -> memref<10000x128xf32, #tpu.memory_space<hbm>>
        %dma_wait3A_29 = arith.constant 9984 : i32
        %dma_wait3A_30 = arith.constant 0 : i32
        %dma_wait3A_31 = tpu.memref_slice %dma_wait3A_28[%dma_wait3A_29, %dma_wait3A_30] : memref<10000x128xf32, #tpu.memory_space<hbm>> -> memref<16x128xf32, #tpu.memory_space<hbm>>
        %dma_wait3A_32 = arith.constant 9984 : i32
        %dma_wait3A_33 = arith.constant 0 : i32
        %dma_wait3A_34 = tpu.memref_slice %arg9[%dma_wait3A_32, %dma_wait3A_33] : memref<10000x128xf32, #tpu.memory_space<vmem_shared>> -> memref<16x128xf32, #tpu.memory_space<vmem_shared>>
        tpu.wait_dma2 semaphore(%run_scoped3A : memref<!tpu.dma_semaphore, #tpu.memory_space<semaphore_mem>>) src(%dma_wait3A_34 : memref<16x128xf32, #tpu.memory_space<vmem_shared>>) dst(%dma_wait3A_31 : memref<16x128xf32, #tpu.memory_space<hbm>>)
        tpu.yield
      }) : () -> ()
    } else {
    }
    return
  }
}

module attributes {stable_mosaic.version = 14 : i64} {
  func.func @_mlp_body(%arg0: i32, %arg1: memref<1000x128xf32, #tpu.memory_space<vmem>>, %arg2: memref<2x1000x128xf32, #tpu.memory_space<vmem>>, %arg3: memref<128x128xf32, #tpu.memory_space<vmem>>, %arg4: memref<1x128xf32, #tpu.memory_space<vmem>>, %arg5: memref<128x128xf32, #tpu.memory_space<vmem>>, %arg6: memref<1x128xf32, #tpu.memory_space<vmem>>, %arg7: memref<1000x128xf32, #tpu.memory_space<vmem>>) attributes {dimension_semantics = [#tpu.dimension_semantics<arbitrary>], iteration_bounds = array<i64: 10>, scalar_prefetch = 0 : i64, scratch_operands = 0 : i64, tpu.core_type = #tpu.core_type<tc>, window_params = [{transform_indices = @transform_0, window_bounds = array<i64: 1000, 128>}, {transform_indices = @transform_1, window_bounds = array<i64: 2, 1000, 128>}, {pipeline_mode = #tpu.pipeline_mode<synchronous>, transform_indices = @transform_2, window_bounds = array<i64: 128, 128>}, {pipeline_mode = #tpu.pipeline_mode<synchronous>, transform_indices = @transform_3, window_bounds = array<i64: 1, 128>}, {pipeline_mode = #tpu.pipeline_mode<synchronous>, transform_indices = @transform_4, window_bounds = array<i64: 128, 128>}, {pipeline_mode = #tpu.pipeline_mode<synchronous>, transform_indices = @transform_5, window_bounds = array<i64: 1, 128>}, {transform_indices = @transform_6, window_bounds = array<i64: 1000, 128>}]} {
    %get3A = arith.constant 0 : index
    %get3A_0 = arith.constant 0 : index
    %get3A_1 = arith.constant 0 : index
    %get3A_2 = vector.load %arg2[%get3A, %get3A_0, %get3A_1] : memref<2x1000x128xf32, #tpu.memory_space<vmem>>, vector<1x1000x128xf32>
    %get3A_3 = vector.shape_cast %get3A_2 : vector<1x1000x128xf32> to vector<1000x128xf32>
    %get3A_4 = arith.constant 1 : index
    %get3A_5 = arith.constant 0 : index
    %get3A_6 = arith.constant 0 : index
    %get3A_7 = vector.load %arg2[%get3A_4, %get3A_5, %get3A_6] : memref<2x1000x128xf32, #tpu.memory_space<vmem>>, vector<1x1000x128xf32>
    %get3A_8 = vector.shape_cast %get3A_7 : vector<1x1000x128xf32> to vector<1000x128xf32>
    %add3A = arith.addf %get3A_3, %get3A_8 : vector<1000x128xf32>
    %get3A_9 = arith.constant 0 : index
    %get3A_10 = arith.constant 0 : index
    %get3A_11 = vector.load %arg1[%get3A_9, %get3A_10] : memref<1000x128xf32, #tpu.memory_space<vmem>>, vector<1000x128xf32>
    %sub3A = arith.subf %add3A, %get3A_11 : vector<1000x128xf32>
    %get3A_12 = arith.constant 0 : index
    %get3A_13 = arith.constant 0 : index
    %get3A_14 = vector.load %arg3[%get3A_12, %get3A_13] : memref<128x128xf32, #tpu.memory_space<vmem>>, vector<128x128xf32>
    %dot_general3A = arith.constant dense<0.000000e+00> : vector<1000x128xf32>
    %dot_general3A_15 = tpu.matmul %sub3A, %get3A_14, %dot_general3A {dimension_numbers = #tpu.dot_dimension_numbers<[1], [0], [0], [1], [0, 0, 1, 1], [], []>, transpose_lhs_hint = false} : vector<1000x128xf32>, vector<128x128xf32>, vector<1000x128xf32> -> vector<1000x128xf32>
    %get3A_16 = arith.constant 0 : index
    %get3A_17 = arith.constant 0 : index
    %get3A_18 = vector.load %arg4[%get3A_16, %get3A_17] : memref<1x128xf32, #tpu.memory_space<vmem>>, vector<1x128xf32>
    %add3A_19 = vector.broadcast %get3A_18 : vector<1x128xf32> to vector<1000x128xf32>
    %add3A_20 = arith.addf %dot_general3A_15, %add3A_19 : vector<1000x128xf32>
    %max3A = arith.constant 0.000000e+00 : f32
    %max3A_21 = vector.broadcast %max3A : f32 to vector<1000x128xf32>
    %max3A_22 = arith.maximumf %add3A_20, %max3A_21 : vector<1000x128xf32>
    %get3A_23 = arith.constant 0 : index
    %get3A_24 = arith.constant 0 : index
    %get3A_25 = vector.load %arg5[%get3A_23, %get3A_24] : memref<128x128xf32, #tpu.memory_space<vmem>>, vector<128x128xf32>
    %dot_general3A_26 = arith.constant dense<0.000000e+00> : vector<1000x128xf32>
    %dot_general3A_27 = tpu.matmul %max3A_22, %get3A_25, %dot_general3A_26 {dimension_numbers = #tpu.dot_dimension_numbers<[1], [0], [0], [1], [0, 0, 1, 1], [], []>, transpose_lhs_hint = false} : vector<1000x128xf32>, vector<128x128xf32>, vector<1000x128xf32> -> vector<1000x128xf32>
    %get3A_28 = arith.constant 0 : index
    %get3A_29 = arith.constant 0 : index
    %get3A_30 = vector.load %arg6[%get3A_28, %get3A_29] : memref<1x128xf32, #tpu.memory_space<vmem>>, vector<1x128xf32>
    %add3A_31 = vector.broadcast %get3A_30 : vector<1x128xf32> to vector<1000x128xf32>
    %add3A_32 = arith.addf %dot_general3A_27, %add3A_31 : vector<1000x128xf32>
    %max3A_33 = arith.constant 0.000000e+00 : f32
    %max3A_34 = vector.broadcast %max3A_33 : f32 to vector<1000x128xf32>
    %max3A_35 = arith.maximumf %add3A_32, %max3A_34 : vector<1000x128xf32>
    %swap3A = arith.constant 0 : index
    %swap3A_36 = arith.constant 0 : index
    %swap3A_37 = vector.load %arg7[%swap3A, %swap3A_36] : memref<1000x128xf32, #tpu.memory_space<vmem>>, vector<1000x128xf32>
    tpu.vector_store %arg7[%swap3A, %swap3A_36], %max3A_35 {strides = array<i32>} : memref<1000x128xf32, #tpu.memory_space<vmem>>, vector<1000x128xf32>,
    return
  }
  func.func @transform_0(%arg0: i32) -> (i32, i32) {
    %c0_i32 = arith.constant 0 : i32
    %c0_i32_0 = arith.constant 0 : i32
    return %arg0, %c0_i32 : i32, i32
  }
  func.func @transform_1(%arg0: i32) -> (i32, i32, i32) {
    %c0_i32 = arith.constant 0 : i32
    %c0_i32_0 = arith.constant 0 : i32
    %c0_i32_1 = arith.constant 0 : i32
    return %c0_i32, %arg0, %c0_i32_0 : i32, i32, i32
  }
  func.func @transform_2(%arg0: i32) -> (i32, i32) {
    %c0_i32 = arith.constant 0 : i32
    %c0_i32_0 = arith.constant 0 : i32
    %c0_i32_1 = arith.constant 0 : i32
    return %c0_i32, %c0_i32_0 : i32, i32
  }
  func.func @transform_3(%arg0: i32) -> (i32, i32) {
    %c0_i32 = arith.constant 0 : i32
    %c0_i32_0 = arith.constant 0 : i32
    %c0_i32_1 = arith.constant 0 : i32
    return %c0_i32, %c0_i32_0 : i32, i32
  }
  func.func @transform_4(%arg0: i32) -> (i32, i32) {
    %c0_i32 = arith.constant 0 : i32
    %c0_i32_0 = arith.constant 0 : i32
    %c0_i32_1 = arith.constant 0 : i32
    return %c0_i32, %c0_i32_0 : i32, i32
  }
  func.func @transform_5(%arg0: i32) -> (i32, i32) {
    %c0_i32 = arith.constant 0 : i32
    %c0_i32_0 = arith.constant 0 : i32
    %c0_i32_1 = arith.constant 0 : i32
    return %c0_i32, %c0_i32_0 : i32, i32
  }
  func.func @transform_6(%arg0: i32) -> (i32, i32) {
    %c0_i32 = arith.constant 0 : i32
    %c0_i32_0 = arith.constant 0 : i32
    return %arg0, %c0_i32 : i32, i32
  }
}

module attributes {stable_mosaic.version = 14 : i64} {
  func.func @_pool_head_body(%arg0: memref<10000x128xf32, #tpu.memory_space<vmem>>, %arg1: memref<10000x1xi32, #tpu.memory_space<vmem>>, %arg2: memref<128x128xf32, #tpu.memory_space<vmem>>, %arg3: memref<1x128xf32, #tpu.memory_space<vmem>>, %arg4: memref<128x1xf32, #tpu.memory_space<vmem>>, %arg5: memref<1x1xf32, #tpu.memory_space<vmem>>, %arg6: memref<64x1xf32, #tpu.memory_space<vmem>>) attributes {dimension_semantics = [], scalar_prefetch = 0 : i64, scratch_operands = 0 : i64, tpu.core_type = #tpu.core_type<tc>} {
    %get3A = arith.constant 0 : index
    %get3A_0 = arith.constant 0 : index
    %get3A_1 = vector.load %arg1[%get3A, %get3A_0] : memref<10000x1xi32, #tpu.memory_space<vmem>>, vector<10000x1xi32>
    %iota3A = tpu.iota {dimensions = array<i32: 1>} : vector<10000x64xi32>
    %eq3A = vector.broadcast %get3A_1 : vector<10000x1xi32> to vector<10000x64xi32>
    %eq3A_2 = arith.cmpi eq, %eq3A, %iota3A : vector<10000x64xi32>
    %convert_element_type3A = arith.extui %eq3A_2 : vector<10000x64xi1> to vector<10000x64xi32>
    %convert_element_type3A_3 = arith.sitofp %convert_element_type3A : vector<10000x64xi32> to vector<10000x64xf32>
    %get3A_4 = arith.constant 0 : index
    %get3A_5 = arith.constant 0 : index
    %get3A_6 = vector.load %arg0[%get3A_4, %get3A_5] : memref<10000x128xf32, #tpu.memory_space<vmem>>, vector<10000x128xf32>
    %dot_general3A = arith.constant dense<0.000000e+00> : vector<64x128xf32>
    %dot_general3A_7 = tpu.matmul %convert_element_type3A_3, %get3A_6, %dot_general3A {dimension_numbers = #tpu.dot_dimension_numbers<[0], [0], [1], [1], [0, 1, 1, 1], [], []>, transpose_lhs_hint = false} : vector<10000x64xf32>, vector<10000x128xf32>, vector<64x128xf32> -> vector<64x128xf32>
    %broadcast_in_dim3A = arith.constant 1.000000e+00 : f32
    %broadcast_in_dim3A_8 = vector.broadcast %broadcast_in_dim3A : f32 to vector<10000x1xf32>
    %dot_general3A_9 = arith.constant dense<0.000000e+00> : vector<64x1xf32>
    %dot_general3A_10 = tpu.matmul %convert_element_type3A_3, %broadcast_in_dim3A_8, %dot_general3A_9 {dimension_numbers = #tpu.dot_dimension_numbers<[0], [0], [1], [1], [0, 1, 1, 1], [], []>, transpose_lhs_hint = false} : vector<10000x64xf32>, vector<10000x1xf32>, vector<64x1xf32> -> vector<64x1xf32>
    %max3A = arith.constant 1.000000e+00 : f32
    %max3A_11 = vector.broadcast %max3A : f32 to vector<64x1xf32>
    %max3A_12 = arith.maximumf %dot_general3A_10, %max3A_11 : vector<64x1xf32>
    %div3A = vector.broadcast %max3A_12 : vector<64x1xf32> to vector<64x128xf32>
    %div3A_13 = arith.divf %dot_general3A_7, %div3A : vector<64x128xf32>
    %get3A_14 = arith.constant 0 : index
    %get3A_15 = arith.constant 0 : index
    %get3A_16 = vector.load %arg2[%get3A_14, %get3A_15] : memref<128x128xf32, #tpu.memory_space<vmem>>, vector<128x128xf32>
    %dot_general3A_17 = arith.constant dense<0.000000e+00> : vector<64x128xf32>
    %dot_general3A_18 = tpu.matmul %div3A_13, %get3A_16, %dot_general3A_17 {dimension_numbers = #tpu.dot_dimension_numbers<[1], [0], [0], [1], [0, 0, 1, 1], [], []>, transpose_lhs_hint = false} : vector<64x128xf32>, vector<128x128xf32>, vector<64x128xf32> -> vector<64x128xf32>
    %get3A_19 = arith.constant 0 : index
    %get3A_20 = arith.constant 0 : index
    %get3A_21 = vector.load %arg3[%get3A_19, %get3A_20] : memref<1x128xf32, #tpu.memory_space<vmem>>, vector<1x128xf32>
    %add3A = vector.broadcast %get3A_21 : vector<1x128xf32> to vector<64x128xf32>
    %add3A_22 = arith.addf %dot_general3A_18, %add3A : vector<64x128xf32>
    %get3A_23 = arith.constant 0 : index
    %get3A_24 = arith.constant 0 : index
    %get3A_25 = vector.load %arg4[%get3A_23, %get3A_24] : memref<128x1xf32, #tpu.memory_space<vmem>>, vector<128x1xf32>
    %dot_general3A_26 = arith.constant dense<0.000000e+00> : vector<64x1xf32>
    %dot_general3A_27 = tpu.matmul %add3A_22, %get3A_25, %dot_general3A_26 {dimension_numbers = #tpu.dot_dimension_numbers<[1], [0], [0], [1], [0, 0, 1, 1], [], []>, transpose_lhs_hint = false} : vector<64x128xf32>, vector<128x1xf32>, vector<64x1xf32> -> vector<64x1xf32>
    %get3A_28 = arith.constant 0 : index
    %get3A_29 = arith.constant 0 : index
    %get3A_30 = vector.load %arg5[%get3A_28, %get3A_29] : memref<1x1xf32, #tpu.memory_space<vmem>>, vector<1x1xf32>
    %add3A_31 = vector.broadcast %get3A_30 : vector<1x1xf32> to vector<64x1xf32>
    %add3A_32 = arith.addf %dot_general3A_27, %add3A_31 : vector<64x1xf32>
    %swap3A = arith.constant 0 : index
    %swap3A_33 = arith.constant 0 : index
    %swap3A_34 = vector.load %arg6[%swap3A, %swap3A_33] : memref<64x1xf32, #tpu.memory_space<vmem>>, vector<64x1xf32>
    tpu.vector_store %arg6[%swap3A, %swap3A_33], %add3A_32 {strides = array<i32>} : memref<64x1xf32, #tpu.memory_space<vmem>>, vector<64x1xf32>,
    return
  }
}

</mosaic_0001>

<sc_bundles>
// kernel: kernel.13.cloned.1.call-start
scs
__scs_entry_jumppad:
0x0: {  	(pc) =	sbr.rel $0x88, $3  }
0x1: {  	(tag) =	ssettag $0x0;
	lr =	simm.s32 $0x1  }
0x2: {  	[smem:$0x3F86] =	sst lr;
	_ =	strace $0xD0000000  }
0x3: {  	_ = 	snop  }
0x4: {  	_ = 	snop  }
0x5: {  	_ = 	snop  }
0x6: {  	_ = 	snop  }
0x7: {  	_ = 	snop  }
__scs_overlays_trampoline_lowered:
0x8: {  	[smem:$0x3F95] =	sst s0  }
0x9: {  	[smem:$0x3F96] =	sst s1  }
0xa: {  	[smem:$0x3F97] =	sst s2  }
0xb: {  	[smem:$0x3F98] =	sst s3  }
0xc: {  	[smem:$0x3F99] =	sst s4  }
0xd: {  	[smem:$0x3F9A] =	sst s5  }
0xe: {  	[smem:$0x3F9B] =	sst s6  }
0xf: {  	[smem:$0x3F9C] =	sst s7  }
0x10: {  	[smem:$0x3F9D] =	sst s8  }
0x11: {  	[smem:$0x3F9E] =	sst s9;
	s0 =	simm.s32 @!p0 $0x0  }
0x12: {  	s1 =	sld [smem:$0x3F84];
	s0 =	simm.s32 @p0 $0x1  }
0x13: {  	[smem:$0x3F9F] =	sst s0;
	s0 =	simm.s32 @!p1 $0x0  }
0x14: {  	s2 =	sld [smem:$0x3F83];
	s0 =	simm.s32 @p1 $0x1  }
0x15: {  	[smem:$0x3FA0] =	sst s0;
	s0 =	simm.s32 @!p2 $0x0  }
0x16: {  	s3 =	sld [smem:$0x3FDB];
	s0 =	simm.s32 @p2 $0x1  }
0x17: {  	s4 =	simm.s32 $0x1BF5;
	[smem:$0x3FA2] =	sst s0  }
0x18: {  	s0 =	sld [smem:$0x3F85];
	_ =	swait.ge [sflag:s4], $0x0  }
0x19: {  	s7 =	sld [smem:$0x3F86]  }
0x1a: {  	s8 =	sadd.s32 $0xFFFFE003, lr  }
0x1b: {  	s9 =	sadd.s32 $0xFFFFFEF7, lr;
	s5 =	simm.s32 $0xFFFFFFFF;
	p2 =	slt.u32 s8, $0xFFFFF086  }
0x1c: {  	p1 =	slt.u32 s9, $0xF7A;
	s5 =	simm.s32 @!p2 $0x0  }
0x1d: {  	s5 =	simm.s32 @p1 $0x1;
	p0 =	seq.s32 s7, s2  }
0x1e: {  	s7 =	smul.u32 @!p0 $0xF7A, s2;
	p2 =	seq.s32 @!p0 s5, $0x0  }
0x1f: {  	s9 =	smul.u32 $0xF7A, s1;
	s8 =	simm.s32 @!p0 $0x1BF5;
	p2 =	por !p2, p0  }
0x20: {  	[sflag:s8] =	ssyncset.s32 @!p0 $0xFFFFF086;
	s6 =	sadd.s32 @!p0 s3, s7;
	s7 =	simm.s32 @!p0 $0x108  }
0x21: {  	s3 =	sadd.s32 s3, s9;
	s6 =	sadd.s32 @!p0 $0x88, s6;
	s7 =	simm.s32 @p2 $0x1082  }
0x22: {  	[simem:s7], [sflag:s8] =	dma.local @!p0 [hbm:s6], $0xF7A  }
0x23: {  	s9 =	sor.u32 $0xD0000000, s2;
	s6 =	simm.s32 $0x108;
	_ =	swait.ge @!p0 [sflag:s8], $0x0  }
0x24: {  	s3 =	sadd.s32 $0x88, s3;
	s6 =	simm.s32 @!p1 $0x1082;
	[sflag:s4] =	ssyncset.s32 $0xFFFFF086  }
0x25: {  	[simem:s6], [sflag:s4] =	dma.local [hbm:s3], $0xF7A  }
0x26: {  	[smem:$0x3F86] =	sst s1;
	(tag) =	ssettag s2;
	_ =	strace s9  }
0x27: {  	s1 =	sld [smem:$0x3F96]  }
0x28: {  	s2 =	sld [smem:$0x3F97]  }
0x29: {  	s4 =	sld [smem:$0x3F99]  }
0x2a: {  	p0 =	seq.s32 s5, $0x0;
	s5 =	sld [smem:$0x3F9A]  }
0x2b: {  	s6 =	sld [smem:$0x3F9B]  }
0x2c: {  	s7 =	sld [smem:$0x3F9C]  }
0x2d: {  	s3 =	simm.s32 $0x108;
	s8 =	sld [smem:$0x3F9D]  }
0x2e: {  	s3 =	simm.s32 @!p0 $0x1082;
	s9 =	sld [smem:$0x3F9E]  }
0x2f: {  	lr =	sadd.s32 s0, s3;
	s0 =	sld [smem:$0x3F95]  }
0x30: {  	s3 =	sld [smem:$0x3F98]  }
0x31: {  	[smem:$0x3FA1] =	sst s10  }
0x32: {  	s10 =	sld [smem:$0x3F9F];
	_ =	sdelay $0x3  }
0x33: {  	p0 =	seq.s32 s10, $0x1;
	s10 =	sld [smem:$0x3FA1];
	_ =	sdelay $0x3  }
0x34: {  	[smem:$0x3FA1] =	sst s10  }
0x35: {  	s10 =	sld [smem:$0x3FA0];
	_ =	sdelay $0x3  }
0x36: {  	p1 =	seq.s32 s10, $0x1;
	s10 =	sld [smem:$0x3FA1];
	_ =	sdelay $0x3  }
0x37: {  	[smem:$0x3FA1] =	sst s10  }
0x38: {  	s10 =	sld [smem:$0x3FA2]  }
0x39: {  	_ = 	snop;
	(pc) =	sbr.ind lr, $3  }
0x3a: {  	_ = 	snop  }
0x3b: {  	_ = 	snop  }
0x3c: {  	p2 =	seq.s32 s10, $0x1;
	s10 =	sld [smem:$0x3FA1]  }
0x3d: {  	_ =	shalt  }
0x3e: {  	_ =	shalt  }
0x3f: {  	_ =	shalt  }
0x40: {  	_ =	shalt  }
0x41: {  	_ =	shalt  }
0x42: {  	_ =	shalt  }
0x43: {  	_ =	shalt  }
0x44: {  	_ =	shalt  }
0x45: {  	_ =	shalt  }
0x46: {  	_ =	shalt  }
0x47: {  	_ =	shalt  }
0x48: {  	_ =	shalt  }
0x49: {  	_ =	shalt  }
0x4a: {  	_ =	shalt  }
0x4b: {  	_ =	shalt  }
0x4c: {  	_ =	shalt  }
0x4d: {  	_ =	shalt  }
0x4e: {  	_ =	shalt  }
0x4f: {  	_ =	shalt  }
0x50: {  	_ =	shalt  }
0x51: {  	_ =	shalt  }
0x52: {  	_ =	shalt  }
0x53: {  	_ =	shalt  }
0x54: {  	_ =	shalt  }
0x55: {  	_ =	shalt  }
0x56: {  	_ =	shalt  }
0x57: {  	_ =	shalt  }
0x58: {  	_ =	shalt  }
0x59: {  	_ =	shalt  }
0x5a: {  	_ =	shalt  }
0x5b: {  	_ =	shalt  }
0x5c: {  	_ =	shalt  }
0x5d: {  	_ =	shalt  }
0x5e: {  	_ =	shalt  }
0x5f: {  	_ =	shalt  }
0x60: {  	_ =	shalt  }
0x61: {  	_ =	shalt  }
0x62: {  	_ =	shalt  }
0x63: {  	_ =	shalt  }
0x64: {  	_ =	shalt  }
0x65: {  	_ =	shalt  }
0x66: {  	_ =	shalt  }
0x67: {  	_ =	shalt  }
0x68: {  	_ =	shalt  }
0x69: {  	_ =	shalt  }
0x6a: {  	_ =	shalt  }
0x6b: {  	_ =	shalt  }
0x6c: {  	_ =	shalt  }
0x6d: {  	_ =	shalt  }
0x6e: {  	_ =	shalt  }
0x6f: {  	_ =	shalt  }
0x70: {  	_ =	shalt  }
0x71: {  	_ =	shalt  }
0x72: {  	_ =	shalt  }
0x73: {  	_ =	shalt  }
0x74: {  	_ =	shalt  }
0x75: {  	_ =	shalt  }
0x76: {  	_ =	shalt  }
0x77: {  	_ =	shalt  }
0x78: {  	_ =	shalt  }
0x79: {  	_ =	shalt  }
0x7a: {  	_ =	shalt  }
0x7b: {  	_ =	shalt  }
0x7c: {  	_ =	shalt  }
0x7d: {  	_ =	shalt  }
0x7e: {  	_ =	shalt  }
0x7f: {  	_ =	shalt  }
0x80: {  	_ =	shalt  }
0x81: {  	_ =	shalt  }
0x82: {  	_ =	shalt  }
0x83: {  	_ =	shalt  }
0x84: {  	_ =	shalt  }
0x85: {  	_ =	shalt  }
0x86: {  	_ =	shalt  }
0x87: {  	_ =	shalt  }
.Lfunc_end0:
.L_simem_size_0:
called_computation_lowered:
.L_overlay_start_0:
0x88: {  	s2 =	sld [smem:$0x3FD9]  }
0x89: {  	s3 =	sld [smem:$0x3FFE];
	_ =	sdelay $0x1  }
0x8a: {  	s1 =	srdreg.scid  }
0x8b: {  	s0 =	sand.u32 $0x1, s1  }
0x8c: {  	s17 =	sshll.u32 s0, $0xA;
	s2 =	sadd.s32 s3, s2  }
0x8d: {  	s2 =	sadd.s32 s2, s17  }
0x8e: {  	[smem:$0x3FAD] =	sst s2  }
0x8f: {  	_ = 	snop  }
0x90: {  	s2 =	sld [smem:$0x3FC9];
	(tm) =	ssettm $0x1  }
0x91: {  	s18 =	sld [smem:$0x3FFB];
	_ =	sdelay $0x3  }
0x92: {  	_ =	strace s18  }
0x93: {  	s3 =	sld [smem:$0x3FFC];
	_ =	sdelay $0x3  }
0x94: {  	_ =	strace s3  }
0x95: {  	s3 =	sld [smem:$0x3FFD];
	_ =	sdelay $0x3  }
0x96: {  	_ =	strace s3  }
0x97: {  	_ =	strace $0x8FFFFFFF  }
0x98: {  	s19 =	sld [smem:$0x3FDB];
	_ =	sdelay $0x1  }
0x99: {  	s4 =	simm.s32 $_scs_section_size  }
0x9a: {  	s5 =	simm.s32 $_size__tile_overlayer_lowered;
	s6 =	simm.s32 $_tile_overlayer_lowered  }
0x9b: {  	s22 =	simm.s32 $0x1BFF;
	s21 =	sshll.u32 s6, $0x1;
	s3 =	sadd.s32 s4, s19  }
0x9c: {  	s7 =	simm.s32 $0x0;
	s20 =	sshll.u32 s5, $0x1;
	s5 =	sadd.s32 s21, s3  }
0x9d: {  	[timem:s7], [sflag:s22] =	dma.local [hbm:s5], s20  }
0x9e: {  	_ =	swait.ge [sflag:s22], s20  }
0x9f: {  	s4 =	ssub.s32 $0x0, s20;
	[sflag:s22] =	ssyncset.done $0x0  }
0xa0: {  	[sflag:s22] =	ssyncadd.s32 s4;
	_ =	sdelay $0x1  }
0xa1: {  	s23 =	simm.s32 $0x1B8B  }
0xa2: {  	_ =	swait.ge [sflag:s23], $0x1  }
0xa3: {  	[sflag:s23] =	ssyncset.done $0x0  }
0xa4: {  	s25 =	simm.s32 $0x1B8E;
	s24 =	sld [smem:$0x3FFE];
	[sflag:s23] =	ssyncadd.s32 $0xFFFFFFFF  }
0xa5: {  	s26 =	simm.s32 $execute0_lowered;
	[smem:$0x3FD2] =	sst s25  }
0xa6: {  	s5 =	sshll.u32 s26, $0x1;
	_ =	strace $0x80000046;
	[dreg:$0x1] =	wrdreg $0xFFFFFFFF  }
0xa7: {  	s28 =	simm.s32 $_size_execute0_lowered;
	s3 =	sadd.s32 s3, s5;
	[dreg:$0x0] =	wrdreg $0x0  }
0xa8: {  	s5 =	sshll.u32 s28, $0x1;
	[dreg:$0x2] =	wrdreg s3  }
0xa9: {  	[dreg:$0x3] =	wrdreg s5  }
0xaa: {  	[dreg:$0x4] =	wrdreg $0xC0  }
0xab: {  	_ =	task [dreg:s7], $0x5FFFF  }
0xac: {  	[dreg:$0x1] =	wrdreg $0xFFFFFFFF  }
0xad: {  	[dreg:$0x0] =	wrdreg $0x60  }
0xae: {  	[dreg:$0x2] =	wrdreg s2  }
0xaf: {  	[dreg:$0x3] =	wrdreg s24  }
0xb0: {  	[dreg:$0x4] =	wrdreg $0x29000  }
0xb1: {  	[dreg:$0x5] =	wrdreg $0x9  }
0xb2: {  	_ =	task.clear_ibuf [dreg:s7], $0x6FFFF;
	_ =	strace $0x90000046  }
0xb3: {  	s29 =	simm.s32 $0x9;
	_ =	strace $0x80000048  }
0xb4: {  	_ =	swait.ge [sflag:s29], $0x1  }
0xb5: {  	[sflag:s29] =	ssyncadd.s32 $0xFFFFFFFF  }
0xb6: {  	_ =	strace $0x90000048  }
0xb7: {  	_ =	sfence  }
0xb8: {  	s30 =	sld [smem:$0x0];
	_ =	sdelay $0x2  }
0xb9: {  	s31 =	sshll.u32 s1, $0xD;
	s1 =	sshrl.u32 s1, $0x2  }
0xba: {  	s3 =	sand.u32 $0x4000, s31;
	s1 =	sadd.s32 s1, s30  }
0xbb: {  	s0 =	sor.u32 s3, s0;
	s1 =	sshll.u32 s1, $0x11  }
0xbc: {  	s0 =	sor.u32 s1, s0  }
0xbd: {  	s0 =	sadd.s32 $0x8F2B, s0  }
0xbe: {  	[sflag:s0] =	ssyncadd.remote.s32 $0x1  }
0xbf: {  	_ =	sfence.sel $0xFFFF  }
0xc0: {  	[dreg:$0x0] =	wrdreg $0xFFFFFFFF;
	(pc) =	sbr.abs _section_cstart, $3  }
0xc1: {  	[dreg:$0x1] =	wrdreg $0xFFFFFFFF  }
0xc2: {  	_ =	task.clear_ibuf [dreg:s7], $0x2FFFF;
	_ =	strace $0x9FFFFFFF  }
0xc3: {  	(tm) =	ssettm $0x7FFFFFFF  }
tec
execute0_lowered:
.L_overlay_start_1:
0x0: {  	(tag) =	ssettag $0x1  }
0x1: {  	s0 =	rddreg [dreg:$0x0]  }
0x2: {  	s5 =	rddreg [dreg:$0x1]  }
0x3: {  	s1 =	srdreg.scid;
	s3 =	rddreg [dreg:$0x2]  }
0x4: {  	s2 =	stileid.u32;
	s4 =	simm.s32 $0x0;
	s14 =	simm.s32 $0x80  }
0x5: {  	s15 =	simm.s32 $0x50;
	s16 =	simm.s32 $0x100;
	s17 =	simm.s32 $0x1  }
0x6: {  	s6 =	sand.u32 $0x1, s1;
	s1 =	rddreg [dreg:$0x3];
	s8 =	smul.u32 $0x2710, s2  }
0x7: {  	s20 =	simm.s32 $0x0;
	[smem:$0x7FF] =	sst s4;
	s9 =	smul.u32 $0x4E000, s2  }
0x8: {  	s18 =	smul.u32 $0x2700, s2;
	s31 =	sshll.u32 s2, $0x6;
	s13 =	sadd.s32 $0x138000, s3  }
0x9: {  	p0 =	sne.s32 s2, $0xF;
	s7 =	smul.u32 $0x27100, s6;
	s6 =	ssub.s32 $0x2, s6  }
0xa: {  	_ =	strace $0x80000047;
	s13 =	sshrl.u32 @!p0 s13, $0x3;
	s29 =	sshrl.u32 s6, $0x1  }
0xb: {  	s30 =	sshrl.u32 s9, $0x2;
	s8 =	sadd.s32 s8, s7;
	s11 =	sadd.s32 s7, s5  }
0xc: {  	s12 =	sadd.s32 s30, s3;
	s7 =	sadd.s32 $0x27000, s0;
	s8 =	sshrl.u32 s8, $0x3  }
0xd: {  	s19 =	sadd.s32 $0x19A00, s11;
	s11 =	sshrl.u32 s12, $0x3;
	s12 =	simm.s32 $0x2  }
0xe: {  	s10 =	sadd.s32 s8, s5;
	s8 =	ssub.s32 s6, s29;
	s5 =	sadd.s32 s0, s18  }
0xf: {  	s6 =	sor.u32 $0x1C02, s31;
	s18 =	sadd.s32 s18, s19;
	s19 =	sadd.s32 @!p0 $0x27000, s19  }
0x10: {  	s8 =	smax.u32 s8, $0x1;
	s9 =	sadd.s32 $0x5E00, s10;
	s10 =	sadd.s32 $0xFC00, s10  }
.LBB2_1:
0x11: {  	[spmem:s11], [sflag:s6] =	dma.local [hbm:s5], $0x2700  }
0x12: {  	_ =	swait.ge [sflag:s12], $0x2700  }
0x13: {  	[sflag:s12] =	ssyncset.done $0x0  }
0x14: {  	s21 =	simm.s32 @!p0 $0x2;
	[sflag:s12] =	ssyncadd.s32 $0xFFFFD900  }
0x15: {  	[spmem:s13], [sflag:s6] =	dma.local @!p0 [hbm:s7], $0x100  }
0x16: {  	_ =	swait.ge @!p0 [sflag:s21], $0x100  }
0x17: {  	[sflag:s21] =	ssyncset.done @!p0 $0x0  }
0x18: {  	[sflag:s21] =	ssyncadd.s32 @!p0 $0xFFFFFF00  }
0x19: {  	s30 =	sadd.s32 $0x0, s10;
	[bflag:$0x0] =	sbarrier.arrive $0xFFFF  }
0x1a: {  	[tilespmem:s4], [sflag:$0x2] =	stream.linear.gather [hbm4b:s30+s4], $0x50, $0x38;
	[tilespmem:$0x16180] =	vst v63  }
0x1b: {  	_ =	swait.ge [sflag:s12], $0x50  }
0x1c: {  	[sflag:s12] =	ssyncset.done $0x0  }
0x1d: {  	s31 =	sadd.s32 $0x0, s9;
	[sflag:s12] =	ssyncadd.s32 $0xFFFFFFB0  }
0x1e: {  	[tilespmem:s14], [sflag:$0x2] =	stream.linear.gather [hbm4b:s31+s4], $0x50, $0x38;
	[tilespmem:$0x16180] =	vst v63  }
0x1f: {  	_ =	swait.ge [sflag:s12], $0x50  }
0x20: {  	[sflag:s12] =	ssyncset.done $0x0  }
0x21: {  	[sflag:s12] =	ssyncadd.s32 $0xFFFFFFB0  }
0x22: {  	[tilespmem:s16], [sflag:$0x1] =	stream.indirect.gather [hbm4b:s0+s15], $0x80, s4, s15, $0xb8;
	[tilespmem:$0x16180] =	vst v63  }
0x23: {  	_ =	swait.ge [sflag:s17], $0x2800  }
0x24: {  	[sflag:s17] =	ssyncset.done $0x0  }
0x25: {  	[sflag:s17] =	ssyncadd.s32 $0xFFFFD800  }
0x26: {  	[spmem:s3] =	stream.indirect.scatter.add.f32 [tilespmem:s16], [sflag:$0x2], $0x80, s14, s15, $0xb8;
	[tilespmem:$0x16180] =	vst v63  }
0x27: {  	_ =	swait.ge [sflag:s12], $0x2800  }
0x28: {  	s22 =	simm.s32 $0x14;
	s21 =	simm.s32 $0xA;
	[sflag:s12] =	ssyncset.done $0x0  }
.LBB2_2:
0x29: {  	s23 =	sadd.s32 s21, s10  }
0x2a: {  	[sflag:s12] =	ssyncadd.s32 $0xFFFFD800;
	s24 =	smov.u32 s22;
	s25 =	sadd.s32 $0xA, s22  }
0x2b: {  	[tilespmem:s4], [sflag:$0x2] =	stream.linear.gather [hbm4b:s23+s4], $0x50, $0x38;
	[tilespmem:$0x16180] =	vst v63  }
0x2c: {  	p1 =	sne.s32 s22, $0x4D8;
	_ =	swait.ge [sflag:s12], $0x50  }
0x2d: {  	[sflag:s12] =	ssyncset.done $0x0  }
0x2e: {  	s22 =	sadd.s32 s21, s9;
	s21 =	smov.u32 s24;
	[sflag:s12] =	ssyncadd.s32 $0xFFFFFFB0  }
0x2f: {  	[tilespmem:s14], [sflag:$0x2] =	stream.linear.gather [hbm4b:s22+s4], $0x50, $0x38;
	[tilespmem:$0x16180] =	vst v63  }
0x30: {  	_ =	swait.ge [sflag:s12], $0x50  }
0x31: {  	[sflag:s12] =	ssyncset.done $0x0  }
0x32: {  	[sflag:s12] =	ssyncadd.s32 $0xFFFFFFB0  }
0x33: {  	[tilespmem:s16], [sflag:$0x1] =	stream.indirect.gather [hbm4b:s0+s15], $0x80, s4, s15, $0xb8;
	[tilespmem:$0x16180] =	vst v63  }
0x34: {  	_ =	swait.ge [sflag:s17], $0x2800  }
.Ltmp0:
0x35: {  	[sflag:s17] =	ssyncset.done $0x0;
	(pc) =	sbr.rel @p1 .LBB2_2-.Ltmp0, $4  }
0x36: {  	[sflag:s17] =	ssyncadd.s32 $0xFFFFD800  }
0x37: {  	[spmem:s3] =	stream.indirect.scatter.add.f32 [tilespmem:s16], [sflag:$0x2], $0x80, s14, s15, $0xb8;
	[tilespmem:$0x16180] =	vst v63  }
0x38: {  	_ =	swait.ge [sflag:s12], $0x2800  }
0x39: {  	s22 =	smov.u32 s25;
	[sflag:s12] =	ssyncset.done $0x0  }
0x3a: {  	s22 =	sadd.s32 s21, s10;
	[sflag:s12] =	ssyncadd.s32 $0xFFFFD800  }
0x3b: {  	[tilespmem:s4], [sflag:$0x2] =	stream.linear.gather [hbm4b:s22+s4], $0x50, $0x38;
	[tilespmem:$0x16180] =	vst v63  }
0x3c: {  	_ =	swait.ge [sflag:s12], $0x50  }
0x3d: {  	[sflag:s12] =	ssyncset.done $0x0  }
0x3e: {  	s31 =	sadd.s32 s21, s9;
	[sflag:s12] =	ssyncadd.s32 $0xFFFFFFB0  }
0x3f: {  	[tilespmem:s14], [sflag:$0x2] =	stream.linear.gather [hbm4b:s31+s4], $0x50, $0x38;
	[tilespmem:$0x16180] =	vst v63  }
0x40: {  	_ =	swait.ge [sflag:s12], $0x50  }
0x41: {  	[sflag:s12] =	ssyncset.done $0x0  }
0x42: {  	[sflag:s12] =	ssyncadd.s32 $0xFFFFFFB0  }
0x43: {  	[tilespmem:s16], [sflag:$0x1] =	stream.indirect.gather [hbm4b:s0+s15], $0x80, s4, s15, $0xb8;
	[tilespmem:$0x16180] =	vst v63  }
0x44: {  	_ =	swait.ge [sflag:s17], $0x2800  }
0x45: {  	[sflag:s17] =	ssyncset.done $0x0  }
0x46: {  	[sflag:s17] =	ssyncadd.s32 $0xFFFFD800  }
0x47: {  	[spmem:s3] =	stream.indirect.scatter.add.f32 [tilespmem:s16], [sflag:$0x2], $0x80, s14, s15, $0xb8;
	[tilespmem:$0x16180] =	vst v63  }
0x48: {  	_ =	swait.ge [sflag:s12], $0x2800  }
0x49: {  	[sflag:s12] =	ssyncset.done $0x0  }
0x4a: {  	[sflag:s12] =	ssyncadd.s32 $0xFFFFD800  }
0x4b: {  	[bflag:$0x0] =	sbarrier.arrive $0xFFFF  }
0x4c: {  	[hbm:s18], [sflag:s6] =	dma.local [spmem:s11], $0x2700  }
0x4d: {  	s20 =	sadd.s32 $0x1, s20;
	_ =	swait.ge [sflag:s12], $0x2700  }
0x4e: {  	p1 =	sne.s32 s20, s8;
	[sflag:s12] =	ssyncset.done $0x0  }
.Ltmp1:
0x4f: {  	s21 =	simm.s32 @!p0 $0x2;
	[sflag:s12] =	ssyncadd.s32 $0xFFFFD900;
	(pc) =	sbr.rel @p1 .LBB2_1-.Ltmp1, $4  }
0x50: {  	[hbm:s19], [sflag:s6] =	dma.local @!p0 [spmem:s13], $0x100  }
0x51: {  	_ =	swait.ge @!p0 [sflag:s21], $0x100  }
0x52: {  	[sflag:s21] =	ssyncset.done @!p0 $0x0  }
0x53: {  	[sflag:s21] =	ssyncadd.s32 @!p0 $0xFFFFFF00  }
0x54: {  	_ =	sfence.sel $0x180000  }
0x55: {  	[bflag:$0x0] =	sbarrier.arrive $0xFFFF  }
0x56: {  	p0 =	sne.s32 s2, $0x0;
	_ =	strace $0x90000047  }
0x57: {  	s0 =	sadd.s32 @!p0 $0x100000, s1;
	[bflag:$0x2] =	sbarrier.arrive $0xFFFF  }
0x58: {  	[sflag:s0] =	ssyncadd.tile.s32 @!p0 $0x1;
	_ =	shalt  }
.Lfunc_end2:
_tile_overlayer_lowered:
.L_overlay_start_2:
0x59: {  	(tag) =	ssettag $0x2  }
0x5a: {  	s0 =	rddreg [dreg:$0x0];
	s2 =	stileid.u32  }
0x5b: {  	s1 =	rddreg [dreg:$0x1];
	p0 =	sne.s32 s2, $0x0  }
0x5c: {  	s3 =	rddreg [dreg:$0x2];
	[bflag:$0x3] =	sbarrier.arrive $0xFFFF;
	s2 =	simm.s32 @!p0 $0x1C02  }
0x5d: {  	[timem:s3], [sflag:s2] =	dma.local @!p0 [hbm:s0], s1  }
0x5e: {  	s0 =	simm.s32 @!p0 $0x2  }
0x5f: {  	_ =	swait.ge @!p0 [sflag:s0], s1  }
0x60: {  	s1 =	ssub.s32 @!p0 $0x0, s1;
	[sflag:s0] =	ssyncset.done @!p0 $0x0  }
0x61: {  	[sflag:s0] =	ssyncadd.s32 @!p0 s1  }
0x62: {  	[bflag:$0x3] =	sbarrier.arrive $0xFFFF  }
0x63: {  	_ =	shalt  }

// kernel: kernel.16.cloned.1.call-start
scs
__scs_entry_jumppad:
0x0: {  	(pc) =	sbr.rel $0x88, $3  }
0x1: {  	(tag) =	ssettag $0x0;
	lr =	simm.s32 $0x1  }
0x2: {  	[smem:$0x3F86] =	sst lr;
	_ =	strace $0xD0000000  }
0x3: {  	_ = 	snop  }
0x4: {  	_ = 	snop  }
0x5: {  	_ = 	snop  }
0x6: {  	_ = 	snop  }
0x7: {  	_ = 	snop  }
__scs_overlays_trampoline_lowered:
0x8: {  	[smem:$0x3F95] =	sst s0  }
0x9: {  	[smem:$0x3F96] =	sst s1  }
0xa: {  	[smem:$0x3F97] =	sst s2  }
0xb: {  	[smem:$0x3F98] =	sst s3  }
0xc: {  	[smem:$0x3F99] =	sst s4  }
0xd: {  	[smem:$0x3F9A] =	sst s5  }
0xe: {  	[smem:$0x3F9B] =	sst s6  }
0xf: {  	[smem:$0x3F9C] =	sst s7  }
0x10: {  	[smem:$0x3F9D] =	sst s8  }
0x11: {  	[smem:$0x3F9E] =	sst s9;
	s0 =	simm.s32 @!p0 $0x0  }
0x12: {  	s1 =	sld [smem:$0x3F84];
	s0 =	simm.s32 @p0 $0x1  }
0x13: {  	[smem:$0x3F9F] =	sst s0;
	s0 =	simm.s32 @!p1 $0x0  }
0x14: {  	s2 =	sld [smem:$0x3F83];
	s0 =	simm.s32 @p1 $0x1  }
0x15: {  	[smem:$0x3FA0] =	sst s0;
	s0 =	simm.s32 @!p2 $0x0  }
0x16: {  	s3 =	sld [smem:$0x3FDB];
	s0 =	simm.s32 @p2 $0x1  }
0x17: {  	s4 =	simm.s32 $0x1BF5;
	[smem:$0x3FA2] =	sst s0  }
0x18: {  	s0 =	sld [smem:$0x3F85];
	_ =	swait.ge [sflag:s4], $0x0  }
0x19: {  	s7 =	sld [smem:$0x3F86]  }
0x1a: {  	s8 =	sadd.s32 $0xFFFFE003, lr  }
0x1b: {  	s9 =	sadd.s32 $0xFFFFFEF7, lr;
	s5 =	simm.s32 $0xFFFFFFFF;
	p2 =	slt.u32 s8, $0xFFFFF086  }
0x1c: {  	p1 =	slt.u32 s9, $0xF7A;
	s5 =	simm.s32 @!p2 $0x0  }
0x1d: {  	s5 =	simm.s32 @p1 $0x1;
	p0 =	seq.s32 s7, s2  }
0x1e: {  	s7 =	smul.u32 @!p0 $0xF7A, s2;
	p2 =	seq.s32 @!p0 s5, $0x0  }
0x1f: {  	s9 =	smul.u32 $0xF7A, s1;
	s8 =	simm.s32 @!p0 $0x1BF5;
	p2 =	por !p2, p0  }
0x20: {  	[sflag:s8] =	ssyncset.s32 @!p0 $0xFFFFF086;
	s6 =	sadd.s32 @!p0 s3, s7;
	s7 =	simm.s32 @!p0 $0x108  }
0x21: {  	s3 =	sadd.s32 s3, s9;
	s6 =	sadd.s32 @!p0 $0x88, s6;
	s7 =	simm.s32 @p2 $0x1082  }
0x22: {  	[simem:s7], [sflag:s8] =	dma.local @!p0 [hbm:s6], $0xF7A  }
0x23: {  	s9 =	sor.u32 $0xD0000000, s2;
	s6 =	simm.s32 $0x108;
	_ =	swait.ge @!p0 [sflag:s8], $0x0  }
0x24: {  	s3 =	sadd.s32 $0x88, s3;
	s6 =	simm.s32 @!p1 $0x1082;
	[sflag:s4] =	ssyncset.s32 $0xFFFFF086  }
0x25: {  	[simem:s6], [sflag:s4] =	dma.local [hbm:s3], $0xF7A  }
0x26: {  	[smem:$0x3F86] =	sst s1;
	(tag) =	ssettag s2;
	_ =	strace s9  }
0x27: {  	s1 =	sld [smem:$0x3F96]  }
0x28: {  	s2 =	sld [smem:$0x3F97]  }
0x29: {  	s4 =	sld [smem:$0x3F99]  }
0x2a: {  	p0 =	seq.s32 s5, $0x0;
	s5 =	sld [smem:$0x3F9A]  }
0x2b: {  	s6 =	sld [smem:$0x3F9B]  }
0x2c: {  	s7 =	sld [smem:$0x3F9C]  }
0x2d: {  	s3 =	simm.s32 $0x108;
	s8 =	sld [smem:$0x3F9D]  }
0x2e: {  	s3 =	simm.s32 @!p0 $0x1082;
	s9 =	sld [smem:$0x3F9E]  }
0x2f: {  	lr =	sadd.s32 s0, s3;
	s0 =	sld [smem:$0x3F95]  }
0x30: {  	s3 =	sld [smem:$0x3F98]  }
0x31: {  	[smem:$0x3FA1] =	sst s10  }
0x32: {  	s10 =	sld [smem:$0x3F9F];
	_ =	sdelay $0x3  }
0x33: {  	p0 =	seq.s32 s10, $0x1;
	s10 =	sld [smem:$0x3FA1];
	_ =	sdelay $0x3  }
0x34: {  	[smem:$0x3FA1] =	sst s10  }
0x35: {  	s10 =	sld [smem:$0x3FA0];
	_ =	sdelay $0x3  }
0x36: {  	p1 =	seq.s32 s10, $0x1;
	s10 =	sld [smem:$0x3FA1];
	_ =	sdelay $0x3  }
0x37: {  	[smem:$0x3FA1] =	sst s10  }
0x38: {  	s10 =	sld [smem:$0x3FA2]  }
0x39: {  	_ = 	snop;
	(pc) =	sbr.ind lr, $3  }
0x3a: {  	_ = 	snop  }
0x3b: {  	_ = 	snop  }
0x3c: {  	p2 =	seq.s32 s10, $0x1;
	s10 =	sld [smem:$0x3FA1]  }
0x3d: {  	_ =	shalt  }
0x3e: {  	_ =	shalt  }
0x3f: {  	_ =	shalt  }
0x40: {  	_ =	shalt  }
0x41: {  	_ =	shalt  }
0x42: {  	_ =	shalt  }
0x43: {  	_ =	shalt  }
0x44: {  	_ =	shalt  }
0x45: {  	_ =	shalt  }
0x46: {  	_ =	shalt  }
0x47: {  	_ =	shalt  }
0x48: {  	_ =	shalt  }
0x49: {  	_ =	shalt  }
0x4a: {  	_ =	shalt  }
0x4b: {  	_ =	shalt  }
0x4c: {  	_ =	shalt  }
0x4d: {  	_ =	shalt  }
0x4e: {  	_ =	shalt  }
0x4f: {  	_ =	shalt  }
0x50: {  	_ =	shalt  }
0x51: {  	_ =	shalt  }
0x52: {  	_ =	shalt  }
0x53: {  	_ =	shalt  }
0x54: {  	_ =	shalt  }
0x55: {  	_ =	shalt  }
0x56: {  	_ =	shalt  }
0x57: {  	_ =	shalt  }
0x58: {  	_ =	shalt  }
0x59: {  	_ =	shalt  }
0x5a: {  	_ =	shalt  }
0x5b: {  	_ =	shalt  }
0x5c: {  	_ =	shalt  }
0x5d: {  	_ =	shalt  }
0x5e: {  	_ =	shalt  }
0x5f: {  	_ =	shalt  }
0x60: {  	_ =	shalt  }
0x61: {  	_ =	shalt  }
0x62: {  	_ =	shalt  }
0x63: {  	_ =	shalt  }
0x64: {  	_ =	shalt  }
0x65: {  	_ =	shalt  }
0x66: {  	_ =	shalt  }
0x67: {  	_ =	shalt  }
0x68: {  	_ =	shalt  }
0x69: {  	_ =	shalt  }
0x6a: {  	_ =	shalt  }
0x6b: {  	_ =	shalt  }
0x6c: {  	_ =	shalt  }
0x6d: {  	_ =	shalt  }
0x6e: {  	_ =	shalt  }
0x6f: {  	_ =	shalt  }
0x70: {  	_ =	shalt  }
0x71: {  	_ =	shalt  }
0x72: {  	_ =	shalt  }
0x73: {  	_ =	shalt  }
0x74: {  	_ =	shalt  }
0x75: {  	_ =	shalt  }
0x76: {  	_ =	shalt  }
0x77: {  	_ =	shalt  }
0x78: {  	_ =	shalt  }
0x79: {  	_ =	shalt  }
0x7a: {  	_ =	shalt  }
0x7b: {  	_ =	shalt  }
0x7c: {  	_ =	shalt  }
0x7d: {  	_ =	shalt  }
0x7e: {  	_ =	shalt  }
0x7f: {  	_ =	shalt  }
0x80: {  	_ =	shalt  }
0x81: {  	_ =	shalt  }
0x82: {  	_ =	shalt  }
0x83: {  	_ =	shalt  }
0x84: {  	_ =	shalt  }
0x85: {  	_ =	shalt  }
0x86: {  	_ =	shalt  }
0x87: {  	_ =	shalt  }
.Lfunc_end0:
.L_simem_size_0:
called_computation.1_lowered:
.L_overlay_start_0:
0x88: {  	s2 =	sld [smem:$0x3FD9]  }
0x89: {  	s3 =	sld [smem:$0x3FFE];
	_ =	sdelay $0x1  }
0x8a: {  	s1 =	srdreg.scid  }
0x8b: {  	s0 =	sand.u32 $0x1, s1  }
0x8c: {  	s16 =	sshll.u32 s0, $0xA;
	s2 =	sadd.s32 s3, s2  }
0x8d: {  	s2 =	sadd.s32 s2, s16  }
0x8e: {  	[smem:$0x3FAD] =	sst s2  }
0x8f: {  	_ = 	snop  }
0x90: {  	(tm) =	ssettm $0x1  }
0x91: {  	s17 =	sld [smem:$0x3FFB];
	_ =	sdelay $0x3  }
0x92: {  	_ =	strace s17  }
0x93: {  	s2 =	sld [smem:$0x3FFC];
	_ =	sdelay $0x3  }
0x94: {  	_ =	strace s2  }
0x95: {  	s2 =	sld [smem:$0x3FFD];
	_ =	sdelay $0x3  }
0x96: {  	_ =	strace s2  }
0x97: {  	_ =	strace $0x8FFFFFFF  }
0x98: {  	s18 =	sld [smem:$0x3FDB];
	_ =	sdelay $0x1  }
0x99: {  	s19 =	simm.s32 $_scs_section_size  }
0x9a: {  	s4 =	simm.s32 $_size__tile_overlayer_lowered;
	s5 =	simm.s32 $_tile_overlayer_lowered  }
0x9b: {  	s22 =	simm.s32 $0x1BFF;
	s21 =	sshll.u32 s5, $0x1;
	s2 =	sadd.s32 s19, s18  }
0x9c: {  	s6 =	simm.s32 $0x0;
	s20 =	sshll.u32 s4, $0x1;
	s4 =	sadd.s32 s21, s2  }
0x9d: {  	[timem:s6], [sflag:s22] =	dma.local [hbm:s4], s20  }
0x9e: {  	_ =	swait.ge [sflag:s22], s20  }
0x9f: {  	s3 =	ssub.s32 $0x0, s20;
	[sflag:s22] =	ssyncset.done $0x0  }
0xa0: {  	[sflag:s22] =	ssyncadd.s32 s3;
	_ =	sdelay $0x1  }
0xa1: {  	s23 =	simm.s32 $0x1B8B  }
0xa2: {  	_ =	swait.ge [sflag:s23], $0x1  }
0xa3: {  	[sflag:s23] =	ssyncset.done $0x0  }
0xa4: {  	s25 =	simm.s32 $0x1B8E;
	s24 =	sld [smem:$0x3FFE];
	[sflag:s23] =	ssyncadd.s32 $0xFFFFFFFF  }
0xa5: {  	s26 =	simm.s32 $execute0_lowered;
	[smem:$0x3FD2] =	sst s25  }
0xa6: {  	s4 =	sshll.u32 s26, $0x1;
	_ =	strace $0x80000049;
	[dreg:$0x1] =	wrdreg $0xFFFFFFFF  }
0xa7: {  	s28 =	simm.s32 $_size_execute0_lowered;
	s2 =	sadd.s32 s2, s4;
	[dreg:$0x0] =	wrdreg $0x0  }
0xa8: {  	s4 =	sshll.u32 s28, $0x1;
	[dreg:$0x2] =	wrdreg s2  }
0xa9: {  	[dreg:$0x3] =	wrdreg s4  }
0xaa: {  	[dreg:$0x4] =	wrdreg $0xC0  }
0xab: {  	_ =	task [dreg:s6], $0x5FFFF  }
0xac: {  	[dreg:$0x1] =	wrdreg $0xFFFFFFFF  }
0xad: {  	[dreg:$0x0] =	wrdreg $0x60  }
0xae: {  	[dreg:$0x2] =	wrdreg s24  }
0xaf: {  	[dreg:$0x3] =	wrdreg $0x29000  }
0xb0: {  	[dreg:$0x4] =	wrdreg $0x9  }
0xb1: {  	_ =	task.clear_ibuf [dreg:s6], $0x5FFFF;
	_ =	strace $0x90000049  }
0xb2: {  	s29 =	simm.s32 $0x9;
	_ =	strace $0x8000004B  }
0xb3: {  	_ =	swait.ge [sflag:s29], $0x1  }
0xb4: {  	[sflag:s29] =	ssyncadd.s32 $0xFFFFFFFF  }
0xb5: {  	_ =	strace $0x9000004B  }
0xb6: {  	_ =	sfence  }
0xb7: {  	s30 =	sld [smem:$0x0];
	_ =	sdelay $0x2  }
0xb8: {  	s31 =	sshll.u32 s1, $0xD;
	s1 =	sshrl.u32 s1, $0x2  }
0xb9: {  	s3 =	sand.u32 $0x4000, s31;
	s1 =	sadd.s32 s1, s30  }
0xba: {  	s0 =	sor.u32 s3, s0;
	s1 =	sshll.u32 s1, $0x11  }
0xbb: {  	s0 =	sor.u32 s1, s0  }
0xbc: {  	s0 =	sadd.s32 $0x8F2B, s0  }
0xbd: {  	[sflag:s0] =	ssyncadd.remote.s32 $0x1  }
0xbe: {  	_ =	sfence.sel $0xFFFF  }
0xbf: {  	[dreg:$0x0] =	wrdreg $0xFFFFFFFF;
	(pc) =	sbr.abs _section_cstart, $3  }
0xc0: {  	[dreg:$0x1] =	wrdreg $0xFFFFFFFF  }
0xc1: {  	_ =	task.clear_ibuf [dreg:s6], $0x2FFFF;
	_ =	strace $0x9FFFFFFF  }
0xc2: {  	(tm) =	ssettm $0x7FFFFFFF  }
0xc3: {  	_ =	shalt  }
tec
execute0_lowered:
.L_overlay_start_1:
0x0: {  	(tag) =	ssettag $0x1  }
0x1: {  	s7 =	rddreg [dreg:$0x0];
	s0 =	srdreg.scid  }
0x2: {  	s2 =	rddreg [dreg:$0x1];
	s1 =	stileid.u32  }
0x3: {  	s3 =	simm.s32 $0x0;
	s14 =	simm.s32 $0x80;
	s15 =	simm.s32 $0x50  }
0x4: {  	s16 =	simm.s32 $0x100;
	s17 =	simm.s32 $0x1;
	s20 =	simm.s32 $0x0  }
0x5: {  	s5 =	sand.u32 $0x1, s0;
	s0 =	rddreg [dreg:$0x2];
	s8 =	smul.u32 $0x2710, s1  }
0x6: {  	[smem:$0x7FF] =	sst s3;
	s4 =	sadd.s32 $0x19A00, s7;
	s9 =	smul.u32 $0x4E000, s1  }
0x7: {  	s18 =	smul.u32 $0x2700, s1;
	s31 =	sshll.u32 s1, $0x6;
	s13 =	sadd.s32 $0x138000, s2  }
0x8: {  	p0 =	sne.s32 s1, $0xF;
	s6 =	smul.u32 $0x27100, s5;
	s5 =	ssub.s32 $0x2, s5  }
0x9: {  	_ =	strace $0x8000004A;
	s13 =	sshrl.u32 @!p0 s13, $0x3;
	s29 =	sshrl.u32 s5, $0x1  }
0xa: {  	s30 =	sshrl.u32 s9, $0x2;
	s8 =	sadd.s32 s8, s6;
	s11 =	sadd.s32 s6, s7  }
0xb: {  	s12 =	sadd.s32 s30, s2;
	s6 =	sor.u32 $0x1C02, s31;
	s8 =	sshrl.u32 s8, $0x3  }
0xc: {  	s19 =	sadd.s32 $0x40C00, s11;
	s11 =	sshrl.u32 s12, $0x3;
	s12 =	simm.s32 $0x2  }
0xd: {  	s10 =	sadd.s32 s8, s7;
	s8 =	ssub.s32 s5, s29;
	s5 =	sadd.s32 s4, s18  }
0xe: {  	s7 =	sadd.s32 $0x40A00, s7;
	s18 =	sadd.s32 s18, s19;
	s19 =	sadd.s32 @!p0 $0x27000, s19  }
0xf: {  	s8 =	smax.u32 s8, $0x1;
	s9 =	sadd.s32 $0x5E00, s10;
	s10 =	sadd.s32 $0xFC00, s10  }
.LBB2_1:
0x10: {  	[spmem:s11], [sflag:s6] =	dma.local [hbm:s5], $0x2700  }
0x11: {  	_ =	swait.ge [sflag:s12], $0x2700  }
0x12: {  	[sflag:s12] =	ssyncset.done $0x0  }
0x13: {  	s21 =	simm.s32 @!p0 $0x2;
	[sflag:s12] =	ssyncadd.s32 $0xFFFFD900  }
0x14: {  	[spmem:s13], [sflag:s6] =	dma.local @!p0 [hbm:s7], $0x100  }
0x15: {  	_ =	swait.ge @!p0 [sflag:s21], $0x100  }
0x16: {  	[sflag:s21] =	ssyncset.done @!p0 $0x0  }
0x17: {  	[sflag:s21] =	ssyncadd.s32 @!p0 $0xFFFFFF00  }
0x18: {  	s30 =	sadd.s32 $0x0, s10;
	[bflag:$0x0] =	sbarrier.arrive $0xFFFF  }
0x19: {  	[tilespmem:s3], [sflag:$0x2] =	stream.linear.gather [hbm4b:s30+s3], $0x50, $0x38;
	[tilespmem:$0x16180] =	vst v63  }
0x1a: {  	_ =	swait.ge [sflag:s12], $0x50  }
0x1b: {  	[sflag:s12] =	ssyncset.done $0x0  }
0x1c: {  	s31 =	sadd.s32 $0x0, s9;
	[sflag:s12] =	ssyncadd.s32 $0xFFFFFFB0  }
0x1d: {  	[tilespmem:s14], [sflag:$0x2] =	stream.linear.gather [hbm4b:s31+s3], $0x50, $0x38;
	[tilespmem:$0x16180] =	vst v63  }
0x1e: {  	_ =	swait.ge [sflag:s12], $0x50  }
0x1f: {  	[sflag:s12] =	ssyncset.done $0x0  }
0x20: {  	[sflag:s12] =	ssyncadd.s32 $0xFFFFFFB0  }
0x21: {  	[tilespmem:s16], [sflag:$0x1] =	stream.indirect.gather [hbm4b:s4+s15], $0x80, s3, s15, $0xb8;
	[tilespmem:$0x16180] =	vst v63  }
0x22: {  	_ =	swait.ge [sflag:s17], $0x2800  }
0x23: {  	[sflag:s17] =	ssyncset.done $0x0  }
0x24: {  	[sflag:s17] =	ssyncadd.s32 $0xFFFFD800  }
0x25: {  	[spmem:s2] =	stream.indirect.scatter.add.f32 [tilespmem:s16], [sflag:$0x2], $0x80, s14, s15, $0xb8;
	[tilespmem:$0x16180] =	vst v63  }
0x26: {  	_ =	swait.ge [sflag:s12], $0x2800  }
0x27: {  	s22 =	simm.s32 $0x14;
	s21 =	simm.s32 $0xA;
	[sflag:s12] =	ssyncset.done $0x0  }
.LBB2_2:
0x28: {  	s23 =	sadd.s32 s21, s10  }
0x29: {  	[sflag:s12] =	ssyncadd.s32 $0xFFFFD800;
	s24 =	smov.u32 s22;
	s25 =	sadd.s32 $0xA, s22  }
0x2a: {  	[tilespmem:s3], [sflag:$0x2] =	stream.linear.gather [hbm4b:s23+s3], $0x50, $0x38;
	[tilespmem:$0x16180] =	vst v63  }
0x2b: {  	p1 =	sne.s32 s22, $0x4D8;
	_ =	swait.ge [sflag:s12], $0x50  }
0x2c: {  	[sflag:s12] =	ssyncset.done $0x0  }
0x2d: {  	s22 =	sadd.s32 s21, s9;
	s21 =	smov.u32 s24;
	[sflag:s12] =	ssyncadd.s32 $0xFFFFFFB0  }
0x2e: {  	[tilespmem:s14], [sflag:$0x2] =	stream.linear.gather [hbm4b:s22+s3], $0x50, $0x38;
	[tilespmem:$0x16180] =	vst v63  }
0x2f: {  	_ =	swait.ge [sflag:s12], $0x50  }
0x30: {  	[sflag:s12] =	ssyncset.done $0x0  }
0x31: {  	[sflag:s12] =	ssyncadd.s32 $0xFFFFFFB0  }
0x32: {  	[tilespmem:s16], [sflag:$0x1] =	stream.indirect.gather [hbm4b:s4+s15], $0x80, s3, s15, $0xb8;
	[tilespmem:$0x16180] =	vst v63  }
0x33: {  	_ =	swait.ge [sflag:s17], $0x2800  }
.Ltmp0:
0x34: {  	[sflag:s17] =	ssyncset.done $0x0;
	(pc) =	sbr.rel @p1 .LBB2_2-.Ltmp0, $4  }
0x35: {  	[sflag:s17] =	ssyncadd.s32 $0xFFFFD800  }
0x36: {  	[spmem:s2] =	stream.indirect.scatter.add.f32 [tilespmem:s16], [sflag:$0x2], $0x80, s14, s15, $0xb8;
	[tilespmem:$0x16180] =	vst v63  }
0x37: {  	_ =	swait.ge [sflag:s12], $0x2800  }
0x38: {  	s22 =	smov.u32 s25;
	[sflag:s12] =	ssyncset.done $0x0  }
0x39: {  	s22 =	sadd.s32 s21, s10;
	[sflag:s12] =	ssyncadd.s32 $0xFFFFD800  }
0x3a: {  	[tilespmem:s3], [sflag:$0x2] =	stream.linear.gather [hbm4b:s22+s3], $0x50, $0x38;
	[tilespmem:$0x16180] =	vst v63  }
0x3b: {  	_ =	swait.ge [sflag:s12], $0x50  }
0x3c: {  	[sflag:s12] =	ssyncset.done $0x0  }
0x3d: {  	s31 =	sadd.s32 s21, s9;
	[sflag:s12] =	ssyncadd.s32 $0xFFFFFFB0  }
0x3e: {  	[tilespmem:s14], [sflag:$0x2] =	stream.linear.gather [hbm4b:s31+s3], $0x50, $0x38;
	[tilespmem:$0x16180] =	vst v63  }
0x3f: {  	_ =	swait.ge [sflag:s12], $0x50  }
0x40: {  	[sflag:s12] =	ssyncset.done $0x0  }
0x41: {  	[sflag:s12] =	ssyncadd.s32 $0xFFFFFFB0  }
0x42: {  	[tilespmem:s16], [sflag:$0x1] =	stream.indirect.gather [hbm4b:s4+s15], $0x80, s3, s15, $0xb8;
	[tilespmem:$0x16180] =	vst v63  }
0x43: {  	_ =	swait.ge [sflag:s17], $0x2800  }
0x44: {  	[sflag:s17] =	ssyncset.done $0x0  }
0x45: {  	[sflag:s17] =	ssyncadd.s32 $0xFFFFD800  }
0x46: {  	[spmem:s2] =	stream.indirect.scatter.add.f32 [tilespmem:s16], [sflag:$0x2], $0x80, s14, s15, $0xb8;
	[tilespmem:$0x16180] =	vst v63  }
0x47: {  	_ =	swait.ge [sflag:s12], $0x2800  }
0x48: {  	[sflag:s12] =	ssyncset.done $0x0  }
0x49: {  	[sflag:s12] =	ssyncadd.s32 $0xFFFFD800  }
0x4a: {  	[bflag:$0x0] =	sbarrier.arrive $0xFFFF  }
0x4b: {  	[hbm:s18], [sflag:s6] =	dma.local [spmem:s11], $0x2700  }
0x4c: {  	s20 =	sadd.s32 $0x1, s20;
	_ =	swait.ge [sflag:s12], $0x2700  }
0x4d: {  	p1 =	sne.s32 s20, s8;
	[sflag:s12] =	ssyncset.done $0x0  }
.Ltmp1:
0x4e: {  	s21 =	simm.s32 @!p0 $0x2;
	[sflag:s12] =	ssyncadd.s32 $0xFFFFD900;
	(pc) =	sbr.rel @p1 .LBB2_1-.Ltmp1, $4  }
0x4f: {  	[hbm:s19], [sflag:s6] =	dma.local @!p0 [spmem:s13], $0x100  }
0x50: {  	_ =	swait.ge @!p0 [sflag:s21], $0x100  }
0x51: {  	[sflag:s21] =	ssyncset.done @!p0 $0x0  }
0x52: {  	[sflag:s21] =	ssyncadd.s32 @!p0 $0xFFFFFF00  }
0x53: {  	_ =	sfence.sel $0x180000  }
0x54: {  	[bflag:$0x0] =	sbarrier.arrive $0xFFFF  }
0x55: {  	p0 =	sne.s32 s1, $0x0;
	_ =	strace $0x9000004A  }
0x56: {  	s0 =	sadd.s32 @!p0 $0x100000, s0;
	[bflag:$0x2] =	sbarrier.arrive $0xFFFF  }
0x57: {  	[sflag:s0] =	ssyncadd.tile.s32 @!p0 $0x1;
	_ =	shalt  }
.Lfunc_end2:
_tile_overlayer_lowered:
.L_overlay_start_2:
0x58: {  	(tag) =	ssettag $0x2  }
0x59: {  	s0 =	rddreg [dreg:$0x0];
	s2 =	stileid.u32  }
0x5a: {  	s1 =	rddreg [dreg:$0x1];
	p0 =	sne.s32 s2, $0x0  }
0x5b: {  	s3 =	rddreg [dreg:$0x2];
	[bflag:$0x3] =	sbarrier.arrive $0xFFFF;
	s2 =	simm.s32 @!p0 $0x1C02  }
0x5c: {  	[timem:s3], [sflag:s2] =	dma.local @!p0 [hbm:s0], s1  }
0x5d: {  	s0 =	simm.s32 @!p0 $0x2  }
0x5e: {  	_ =	swait.ge @!p0 [sflag:s0], s1  }
0x5f: {  	s1 =	ssub.s32 @!p0 $0x0, s1;
	[sflag:s0] =	ssyncset.done @!p0 $0x0  }
0x60: {  	[sflag:s0] =	ssyncadd.s32 @!p0 s1  }
0x61: {  	[bflag:$0x3] =	sbarrier.arrive $0xFFFF  }
0x62: {  	_ =	shalt  }

// kernel: kernel.19.cloned.1.call-start
scs
__scs_entry_jumppad:
0x0: {  	(pc) =	sbr.rel $0x88, $3  }
0x1: {  	(tag) =	ssettag $0x0;
	lr =	simm.s32 $0x1  }
0x2: {  	[smem:$0x3F86] =	sst lr;
	_ =	strace $0xD0000000  }
0x3: {  	_ = 	snop  }
0x4: {  	_ = 	snop  }
0x5: {  	_ = 	snop  }
0x6: {  	_ = 	snop  }
0x7: {  	_ = 	snop  }
__scs_overlays_trampoline_lowered:
0x8: {  	[smem:$0x3F95] =	sst s0  }
0x9: {  	[smem:$0x3F96] =	sst s1  }
0xa: {  	[smem:$0x3F97] =	sst s2  }
0xb: {  	[smem:$0x3F98] =	sst s3  }
0xc: {  	[smem:$0x3F99] =	sst s4  }
0xd: {  	[smem:$0x3F9A] =	sst s5  }
0xe: {  	[smem:$0x3F9B] =	sst s6  }
0xf: {  	[smem:$0x3F9C] =	sst s7  }
0x10: {  	[smem:$0x3F9D] =	sst s8  }
0x11: {  	[smem:$0x3F9E] =	sst s9;
	s0 =	simm.s32 @!p0 $0x0  }
0x12: {  	s1 =	sld [smem:$0x3F84];
	s0 =	simm.s32 @p0 $0x1  }
0x13: {  	[smem:$0x3F9F] =	sst s0;
	s0 =	simm.s32 @!p1 $0x0  }
0x14: {  	s2 =	sld [smem:$0x3F83];
	s0 =	simm.s32 @p1 $0x1  }
0x15: {  	[smem:$0x3FA0] =	sst s0;
	s0 =	simm.s32 @!p2 $0x0  }
0x16: {  	s3 =	sld [smem:$0x3FDB];
	s0 =	simm.s32 @p2 $0x1  }
0x17: {  	s4 =	simm.s32 $0x1BF5;
	[smem:$0x3FA2] =	sst s0  }
0x18: {  	s0 =	sld [smem:$0x3F85];
	_ =	swait.ge [sflag:s4], $0x0  }
0x19: {  	s7 =	sld [smem:$0x3F86]  }
0x1a: {  	s8 =	sadd.s32 $0xFFFFE003, lr  }
0x1b: {  	s9 =	sadd.s32 $0xFFFFFEF7, lr;
	s5 =	simm.s32 $0xFFFFFFFF;
	p2 =	slt.u32 s8, $0xFFFFF086  }
0x1c: {  	p1 =	slt.u32 s9, $0xF7A;
	s5 =	simm.s32 @!p2 $0x0  }
0x1d: {  	s5 =	simm.s32 @p1 $0x1;
	p0 =	seq.s32 s7, s2  }
0x1e: {  	s7 =	smul.u32 @!p0 $0xF7A, s2;
	p2 =	seq.s32 @!p0 s5, $0x0  }
0x1f: {  	s9 =	smul.u32 $0xF7A, s1;
	s8 =	simm.s32 @!p0 $0x1BF5;
	p2 =	por !p2, p0  }
0x20: {  	[sflag:s8] =	ssyncset.s32 @!p0 $0xFFFFF086;
	s6 =	sadd.s32 @!p0 s3, s7;
	s7 =	simm.s32 @!p0 $0x108  }
0x21: {  	s3 =	sadd.s32 s3, s9;
	s6 =	sadd.s32 @!p0 $0x88, s6;
	s7 =	simm.s32 @p2 $0x1082  }
0x22: {  	[simem:s7], [sflag:s8] =	dma.local @!p0 [hbm:s6], $0xF7A  }
0x23: {  	s9 =	sor.u32 $0xD0000000, s2;
	s6 =	simm.s32 $0x108;
	_ =	swait.ge @!p0 [sflag:s8], $0x0  }
0x24: {  	s3 =	sadd.s32 $0x88, s3;
	s6 =	simm.s32 @!p1 $0x1082;
	[sflag:s4] =	ssyncset.s32 $0xFFFFF086  }
0x25: {  	[simem:s6], [sflag:s4] =	dma.local [hbm:s3], $0xF7A  }
0x26: {  	[smem:$0x3F86] =	sst s1;
	(tag) =	ssettag s2;
	_ =	strace s9  }
0x27: {  	s1 =	sld [smem:$0x3F96]  }
0x28: {  	s2 =	sld [smem:$0x3F97]  }
0x29: {  	s4 =	sld [smem:$0x3F99]  }
0x2a: {  	p0 =	seq.s32 s5, $0x0;
	s5 =	sld [smem:$0x3F9A]  }
0x2b: {  	s6 =	sld [smem:$0x3F9B]  }
0x2c: {  	s7 =	sld [smem:$0x3F9C]  }
0x2d: {  	s3 =	simm.s32 $0x108;
	s8 =	sld [smem:$0x3F9D]  }
0x2e: {  	s3 =	simm.s32 @!p0 $0x1082;
	s9 =	sld [smem:$0x3F9E]  }
0x2f: {  	lr =	sadd.s32 s0, s3;
	s0 =	sld [smem:$0x3F95]  }
0x30: {  	s3 =	sld [smem:$0x3F98]  }
0x31: {  	[smem:$0x3FA1] =	sst s10  }
0x32: {  	s10 =	sld [smem:$0x3F9F];
	_ =	sdelay $0x3  }
0x33: {  	p0 =	seq.s32 s10, $0x1;
	s10 =	sld [smem:$0x3FA1];
	_ =	sdelay $0x3  }
0x34: {  	[smem:$0x3FA1] =	sst s10  }
0x35: {  	s10 =	sld [smem:$0x3FA0];
	_ =	sdelay $0x3  }
0x36: {  	p1 =	seq.s32 s10, $0x1;
	s10 =	sld [smem:$0x3FA1];
	_ =	sdelay $0x3  }
0x37: {  	[smem:$0x3FA1] =	sst s10  }
0x38: {  	s10 =	sld [smem:$0x3FA2]  }
0x39: {  	_ = 	snop;
	(pc) =	sbr.ind lr, $3  }
0x3a: {  	_ = 	snop  }
0x3b: {  	_ = 	snop  }
0x3c: {  	p2 =	seq.s32 s10, $0x1;
	s10 =	sld [smem:$0x3FA1]  }
0x3d: {  	_ =	shalt  }
0x3e: {  	_ =	shalt  }
0x3f: {  	_ =	shalt  }
0x40: {  	_ =	shalt  }
0x41: {  	_ =	shalt  }
0x42: {  	_ =	shalt  }
0x43: {  	_ =	shalt  }
0x44: {  	_ =	shalt  }
0x45: {  	_ =	shalt  }
0x46: {  	_ =	shalt  }
0x47: {  	_ =	shalt  }
0x48: {  	_ =	shalt  }
0x49: {  	_ =	shalt  }
0x4a: {  	_ =	shalt  }
0x4b: {  	_ =	shalt  }
0x4c: {  	_ =	shalt  }
0x4d: {  	_ =	shalt  }
0x4e: {  	_ =	shalt  }
0x4f: {  	_ =	shalt  }
0x50: {  	_ =	shalt  }
0x51: {  	_ =	shalt  }
0x52: {  	_ =	shalt  }
0x53: {  	_ =	shalt  }
0x54: {  	_ =	shalt  }
0x55: {  	_ =	shalt  }
0x56: {  	_ =	shalt  }
0x57: {  	_ =	shalt  }
0x58: {  	_ =	shalt  }
0x59: {  	_ =	shalt  }
0x5a: {  	_ =	shalt  }
0x5b: {  	_ =	shalt  }
0x5c: {  	_ =	shalt  }
0x5d: {  	_ =	shalt  }
0x5e: {  	_ =	shalt  }
0x5f: {  	_ =	shalt  }
0x60: {  	_ =	shalt  }
0x61: {  	_ =	shalt  }
0x62: {  	_ =	shalt  }
0x63: {  	_ =	shalt  }
0x64: {  	_ =	shalt  }
0x65: {  	_ =	shalt  }
0x66: {  	_ =	shalt  }
0x67: {  	_ =	shalt  }
0x68: {  	_ =	shalt  }
0x69: {  	_ =	shalt  }
0x6a: {  	_ =	shalt  }
0x6b: {  	_ =	shalt  }
0x6c: {  	_ =	shalt  }
0x6d: {  	_ =	shalt  }
0x6e: {  	_ =	shalt  }
0x6f: {  	_ =	shalt  }
0x70: {  	_ =	shalt  }
0x71: {  	_ =	shalt  }
0x72: {  	_ =	shalt  }
0x73: {  	_ =	shalt  }
0x74: {  	_ =	shalt  }
0x75: {  	_ =	shalt  }
0x76: {  	_ =	shalt  }
0x77: {  	_ =	shalt  }
0x78: {  	_ =	shalt  }
0x79: {  	_ =	shalt  }
0x7a: {  	_ =	shalt  }
0x7b: {  	_ =	shalt  }
0x7c: {  	_ =	shalt  }
0x7d: {  	_ =	shalt  }
0x7e: {  	_ =	shalt  }
0x7f: {  	_ =	shalt  }
0x80: {  	_ =	shalt  }
0x81: {  	_ =	shalt  }
0x82: {  	_ =	shalt  }
0x83: {  	_ =	shalt  }
0x84: {  	_ =	shalt  }
0x85: {  	_ =	shalt  }
0x86: {  	_ =	shalt  }
0x87: {  	_ =	shalt  }
.Lfunc_end0:
.L_simem_size_0:
called_computation.2_lowered:
.L_overlay_start_0:
0x88: {  	s2 =	sld [smem:$0x3FD9]  }
0x89: {  	s3 =	sld [smem:$0x3FFE];
	_ =	sdelay $0x1  }
0x8a: {  	s1 =	srdreg.scid  }
0x8b: {  	s0 =	sand.u32 $0x1, s1  }
0x8c: {  	s16 =	sshll.u32 s0, $0xA;
	s2 =	sadd.s32 s3, s2  }
0x8d: {  	s2 =	sadd.s32 s2, s16  }
0x8e: {  	[smem:$0x3FAD] =	sst s2  }
0x8f: {  	_ = 	snop  }
0x90: {  	(tm) =	ssettm $0x1  }
0x91: {  	s17 =	sld [smem:$0x3FFB];
	_ =	sdelay $0x3  }
0x92: {  	_ =	strace s17  }
0x93: {  	s2 =	sld [smem:$0x3FFC];
	_ =	sdelay $0x3  }
0x94: {  	_ =	strace s2  }
0x95: {  	s2 =	sld [smem:$0x3FFD];
	_ =	sdelay $0x3  }
0x96: {  	_ =	strace s2  }
0x97: {  	_ =	strace $0x8FFFFFFF  }
0x98: {  	s18 =	sld [smem:$0x3FDB];
	_ =	sdelay $0x1  }
0x99: {  	s19 =	simm.s32 $_scs_section_size  }
0x9a: {  	s4 =	simm.s32 $_size__tile_overlayer_lowered;
	s5 =	simm.s32 $_tile_overlayer_lowered  }
0x9b: {  	s22 =	simm.s32 $0x1BFF;
	s21 =	sshll.u32 s5, $0x1;
	s2 =	sadd.s32 s19, s18  }
0x9c: {  	s6 =	simm.s32 $0x0;
	s20 =	sshll.u32 s4, $0x1;
	s4 =	sadd.s32 s21, s2  }
0x9d: {  	[timem:s6], [sflag:s22] =	dma.local [hbm:s4], s20  }
0x9e: {  	_ =	swait.ge [sflag:s22], s20  }
0x9f: {  	s3 =	ssub.s32 $0x0, s20;
	[sflag:s22] =	ssyncset.done $0x0  }
0xa0: {  	[sflag:s22] =	ssyncadd.s32 s3;
	_ =	sdelay $0x1  }
0xa1: {  	s23 =	simm.s32 $0x1B8B  }
0xa2: {  	_ =	swait.ge [sflag:s23], $0x1  }
0xa3: {  	[sflag:s23] =	ssyncset.done $0x0  }
0xa4: {  	s25 =	simm.s32 $0x1B8E;
	s24 =	sld [smem:$0x3FFE];
	[sflag:s23] =	ssyncadd.s32 $0xFFFFFFFF  }
0xa5: {  	s26 =	simm.s32 $execute0_lowered;
	[smem:$0x3FD2] =	sst s25  }
0xa6: {  	s4 =	sshll.u32 s26, $0x1;
	_ =	strace $0x8000004C;
	[dreg:$0x1] =	wrdreg $0xFFFFFFFF  }
0xa7: {  	s28 =	simm.s32 $_size_execute0_lowered;
	s2 =	sadd.s32 s2, s4;
	[dreg:$0x0] =	wrdreg $0x0  }
0xa8: {  	s4 =	sshll.u32 s28, $0x1;
	[dreg:$0x2] =	wrdreg s2  }
0xa9: {  	[dreg:$0x3] =	wrdreg s4  }
0xaa: {  	[dreg:$0x4] =	wrdreg $0xC0  }
0xab: {  	_ =	task [dreg:s6], $0x5FFFF  }
0xac: {  	[dreg:$0x1] =	wrdreg $0xFFFFFFFF  }
0xad: {  	[dreg:$0x0] =	wrdreg $0x60  }
0xae: {  	[dreg:$0x2] =	wrdreg s24  }
0xaf: {  	[dreg:$0x3] =	wrdreg $0x29000  }
0xb0: {  	[dreg:$0x4] =	wrdreg $0x9  }
0xb1: {  	_ =	task.clear_ibuf [dreg:s6], $0x5FFFF;
	_ =	strace $0x9000004C  }
0xb2: {  	s29 =	simm.s32 $0x9;
	_ =	strace $0x8000004E  }
0xb3: {  	_ =	swait.ge [sflag:s29], $0x1  }
0xb4: {  	[sflag:s29] =	ssyncadd.s32 $0xFFFFFFFF  }
0xb5: {  	_ =	strace $0x9000004E  }
0xb6: {  	_ =	sfence  }
0xb7: {  	s30 =	sld [smem:$0x0];
	_ =	sdelay $0x2  }
0xb8: {  	s31 =	sshll.u32 s1, $0xD;
	s1 =	sshrl.u32 s1, $0x2  }
0xb9: {  	s3 =	sand.u32 $0x4000, s31;
	s1 =	sadd.s32 s1, s30  }
0xba: {  	s0 =	sor.u32 s3, s0;
	s1 =	sshll.u32 s1, $0x11  }
0xbb: {  	s0 =	sor.u32 s1, s0  }
0xbc: {  	s0 =	sadd.s32 $0x8F2B, s0  }
0xbd: {  	[sflag:s0] =	ssyncadd.remote.s32 $0x1  }
0xbe: {  	_ =	sfence.sel $0xFFFF  }
0xbf: {  	[dreg:$0x0] =	wrdreg $0xFFFFFFFF;
	(pc) =	sbr.abs _section_cstart, $3  }
0xc0: {  	[dreg:$0x1] =	wrdreg $0xFFFFFFFF  }
0xc1: {  	_ =	task.clear_ibuf [dreg:s6], $0x2FFFF;
	_ =	strace $0x9FFFFFFF  }
0xc2: {  	(tm) =	ssettm $0x7FFFFFFF  }
0xc3: {  	_ =	shalt  }
tec
execute0_lowered:
.L_overlay_start_1:
0x0: {  	(tag) =	ssettag $0x1  }
0x1: {  	s7 =	rddreg [dreg:$0x0];
	s0 =	srdreg.scid  }
0x2: {  	s2 =	rddreg [dreg:$0x1];
	s1 =	stileid.u32  }
0x3: {  	s3 =	simm.s32 $0x0;
	s14 =	simm.s32 $0x80;
	s15 =	simm.s32 $0x50  }
0x4: {  	s16 =	simm.s32 $0x100;
	s17 =	simm.s32 $0x1;
	s20 =	simm.s32 $0x0  }
0x5: {  	s5 =	sand.u32 $0x1, s0;
	s0 =	rddreg [dreg:$0x2];
	s8 =	smul.u32 $0x2710, s1  }
0x6: {  	[smem:$0x7FF] =	sst s3;
	s4 =	sadd.s32 $0x19A00, s7;
	s9 =	smul.u32 $0x4E000, s1  }
0x7: {  	s18 =	smul.u32 $0x2700, s1;
	s31 =	sshll.u32 s1, $0x6;
	s13 =	sadd.s32 $0x138000, s2  }
0x8: {  	p0 =	sne.s32 s1, $0xF;
	s6 =	smul.u32 $0x27100, s5;
	s5 =	ssub.s32 $0x2, s5  }
0x9: {  	_ =	strace $0x8000004D;
	s13 =	sshrl.u32 @!p0 s13, $0x3;
	s29 =	sshrl.u32 s5, $0x1  }
0xa: {  	s30 =	sshrl.u32 s9, $0x2;
	s8 =	sadd.s32 s8, s6;
	s11 =	sadd.s32 s6, s7  }
0xb: {  	s12 =	sadd.s32 s30, s2;
	s6 =	sor.u32 $0x1C02, s31;
	s8 =	sshrl.u32 s8, $0x3  }
0xc: {  	s19 =	sadd.s32 $0x40C00, s11;
	s11 =	sshrl.u32 s12, $0x3;
	s12 =	simm.s32 $0x2  }
0xd: {  	s10 =	sadd.s32 s8, s7;
	s8 =	ssub.s32 s5, s29;
	s5 =	sadd.s32 s4, s18  }
0xe: {  	s7 =	sadd.s32 $0x40A00, s7;
	s18 =	sadd.s32 s18, s19;
	s19 =	sadd.s32 @!p0 $0x27000, s19  }
0xf: {  	s8 =	smax.u32 s8, $0x1;
	s9 =	sadd.s32 $0x5E00, s10;
	s10 =	sadd.s32 $0xFC00, s10  }
.LBB2_1:
0x10: {  	[spmem:s11], [sflag:s6] =	dma.local [hbm:s5], $0x2700  }
0x11: {  	_ =	swait.ge [sflag:s12], $0x2700  }
0x12: {  	[sflag:s12] =	ssyncset.done $0x0  }
0x13: {  	s21 =	simm.s32 @!p0 $0x2;
	[sflag:s12] =	ssyncadd.s32 $0xFFFFD900  }
0x14: {  	[spmem:s13], [sflag:s6] =	dma.local @!p0 [hbm:s7], $0x100  }
0x15: {  	_ =	swait.ge @!p0 [sflag:s21], $0x100  }
0x16: {  	[sflag:s21] =	ssyncset.done @!p0 $0x0  }
0x17: {  	[sflag:s21] =	ssyncadd.s32 @!p0 $0xFFFFFF00  }
0x18: {  	s30 =	sadd.s32 $0x0, s10;
	[bflag:$0x0] =	sbarrier.arrive $0xFFFF  }
0x19: {  	[tilespmem:s3], [sflag:$0x2] =	stream.linear.gather [hbm4b:s30+s3], $0x50, $0x38;
	[tilespmem:$0x16180] =	vst v63  }
0x1a: {  	_ =	swait.ge [sflag:s12], $0x50  }
0x1b: {  	[sflag:s12] =	ssyncset.done $0x0  }
0x1c: {  	s31 =	sadd.s32 $0x0, s9;
	[sflag:s12] =	ssyncadd.s32 $0xFFFFFFB0  }
0x1d: {  	[tilespmem:s14], [sflag:$0x2] =	stream.linear.gather [hbm4b:s31+s3], $0x50, $0x38;
	[tilespmem:$0x16180] =	vst v63  }
0x1e: {  	_ =	swait.ge [sflag:s12], $0x50  }
0x1f: {  	[sflag:s12] =	ssyncset.done $0x0  }
0x20: {  	[sflag:s12] =	ssyncadd.s32 $0xFFFFFFB0  }
0x21: {  	[tilespmem:s16], [sflag:$0x1] =	stream.indirect.gather [hbm4b:s4+s15], $0x80, s3, s15, $0xb8;
	[tilespmem:$0x16180] =	vst v63  }
0x22: {  	_ =	swait.ge [sflag:s17], $0x2800  }
0x23: {  	[sflag:s17] =	ssyncset.done $0x0  }
0x24: {  	[sflag:s17] =	ssyncadd.s32 $0xFFFFD800  }
0x25: {  	[spmem:s2] =	stream.indirect.scatter.add.f32 [tilespmem:s16], [sflag:$0x2], $0x80, s14, s15, $0xb8;
	[tilespmem:$0x16180] =	vst v63  }
0x26: {  	_ =	swait.ge [sflag:s12], $0x2800  }
0x27: {  	s22 =	simm.s32 $0x14;
	s21 =	simm.s32 $0xA;
	[sflag:s12] =	ssyncset.done $0x0  }
.LBB2_2:
0x28: {  	s23 =	sadd.s32 s21, s10  }
0x29: {  	[sflag:s12] =	ssyncadd.s32 $0xFFFFD800;
	s24 =	smov.u32 s22;
	s25 =	sadd.s32 $0xA, s22  }
0x2a: {  	[tilespmem:s3], [sflag:$0x2] =	stream.linear.gather [hbm4b:s23+s3], $0x50, $0x38;
	[tilespmem:$0x16180] =	vst v63  }
0x2b: {  	p1 =	sne.s32 s22, $0x4D8;
	_ =	swait.ge [sflag:s12], $0x50  }
0x2c: {  	[sflag:s12] =	ssyncset.done $0x0  }
0x2d: {  	s22 =	sadd.s32 s21, s9;
	s21 =	smov.u32 s24;
	[sflag:s12] =	ssyncadd.s32 $0xFFFFFFB0  }
0x2e: {  	[tilespmem:s14], [sflag:$0x2] =	stream.linear.gather [hbm4b:s22+s3], $0x50, $0x38;
	[tilespmem:$0x16180] =	vst v63  }
0x2f: {  	_ =	swait.ge [sflag:s12], $0x50  }
0x30: {  	[sflag:s12] =	ssyncset.done $0x0  }
0x31: {  	[sflag:s12] =	ssyncadd.s32 $0xFFFFFFB0  }
0x32: {  	[tilespmem:s16], [sflag:$0x1] =	stream.indirect.gather [hbm4b:s4+s15], $0x80, s3, s15, $0xb8;
	[tilespmem:$0x16180] =	vst v63  }
0x33: {  	_ =	swait.ge [sflag:s17], $0x2800  }
.Ltmp0:
0x34: {  	[sflag:s17] =	ssyncset.done $0x0;
	(pc) =	sbr.rel @p1 .LBB2_2-.Ltmp0, $4  }
0x35: {  	[sflag:s17] =	ssyncadd.s32 $0xFFFFD800  }
0x36: {  	[spmem:s2] =	stream.indirect.scatter.add.f32 [tilespmem:s16], [sflag:$0x2], $0x80, s14, s15, $0xb8;
	[tilespmem:$0x16180] =	vst v63  }
0x37: {  	_ =	swait.ge [sflag:s12], $0x2800  }
0x38: {  	s22 =	smov.u32 s25;
	[sflag:s12] =	ssyncset.done $0x0  }
0x39: {  	s22 =	sadd.s32 s21, s10;
	[sflag:s12] =	ssyncadd.s32 $0xFFFFD800  }
0x3a: {  	[tilespmem:s3], [sflag:$0x2] =	stream.linear.gather [hbm4b:s22+s3], $0x50, $0x38;
	[tilespmem:$0x16180] =	vst v63  }
0x3b: {  	_ =	swait.ge [sflag:s12], $0x50  }
0x3c: {  	[sflag:s12] =	ssyncset.done $0x0  }
0x3d: {  	s31 =	sadd.s32 s21, s9;
	[sflag:s12] =	ssyncadd.s32 $0xFFFFFFB0  }
0x3e: {  	[tilespmem:s14], [sflag:$0x2] =	stream.linear.gather [hbm4b:s31+s3], $0x50, $0x38;
	[tilespmem:$0x16180] =	vst v63  }
0x3f: {  	_ =	swait.ge [sflag:s12], $0x50  }
0x40: {  	[sflag:s12] =	ssyncset.done $0x0  }
0x41: {  	[sflag:s12] =	ssyncadd.s32 $0xFFFFFFB0  }
0x42: {  	[tilespmem:s16], [sflag:$0x1] =	stream.indirect.gather [hbm4b:s4+s15], $0x80, s3, s15, $0xb8;
	[tilespmem:$0x16180] =	vst v63  }
0x43: {  	_ =	swait.ge [sflag:s17], $0x2800  }
0x44: {  	[sflag:s17] =	ssyncset.done $0x0  }
0x45: {  	[sflag:s17] =	ssyncadd.s32 $0xFFFFD800  }
0x46: {  	[spmem:s2] =	stream.indirect.scatter.add.f32 [tilespmem:s16], [sflag:$0x2], $0x80, s14, s15, $0xb8;
	[tilespmem:$0x16180] =	vst v63  }
0x47: {  	_ =	swait.ge [sflag:s12], $0x2800  }
0x48: {  	[sflag:s12] =	ssyncset.done $0x0  }
0x49: {  	[sflag:s12] =	ssyncadd.s32 $0xFFFFD800  }
0x4a: {  	[bflag:$0x0] =	sbarrier.arrive $0xFFFF  }
0x4b: {  	[hbm:s18], [sflag:s6] =	dma.local [spmem:s11], $0x2700  }
0x4c: {  	s20 =	sadd.s32 $0x1, s20;
	_ =	swait.ge [sflag:s12], $0x2700  }
0x4d: {  	p1 =	sne.s32 s20, s8;
	[sflag:s12] =	ssyncset.done $0x0  }
.Ltmp1:
0x4e: {  	s21 =	simm.s32 @!p0 $0x2;
	[sflag:s12] =	ssyncadd.s32 $0xFFFFD900;
	(pc) =	sbr.rel @p1 .LBB2_1-.Ltmp1, $4  }
0x4f: {  	[hbm:s19], [sflag:s6] =	dma.local @!p0 [spmem:s13], $0x100  }
0x50: {  	_ =	swait.ge @!p0 [sflag:s21], $0x100  }
0x51: {  	[sflag:s21] =	ssyncset.done @!p0 $0x0  }
0x52: {  	[sflag:s21] =	ssyncadd.s32 @!p0 $0xFFFFFF00  }
0x53: {  	_ =	sfence.sel $0x180000  }
0x54: {  	[bflag:$0x0] =	sbarrier.arrive $0xFFFF  }
0x55: {  	p0 =	sne.s32 s1, $0x0;
	_ =	strace $0x9000004D  }
0x56: {  	s0 =	sadd.s32 @!p0 $0x100000, s0;
	[bflag:$0x2] =	sbarrier.arrive $0xFFFF  }
0x57: {  	[sflag:s0] =	ssyncadd.tile.s32 @!p0 $0x1;
	_ =	shalt  }
.Lfunc_end2:
_tile_overlayer_lowered:
.L_overlay_start_2:
0x58: {  	(tag) =	ssettag $0x2  }
0x59: {  	s0 =	rddreg [dreg:$0x0];
	s2 =	stileid.u32  }
0x5a: {  	s1 =	rddreg [dreg:$0x1];
	p0 =	sne.s32 s2, $0x0  }
0x5b: {  	s3 =	rddreg [dreg:$0x2];
	[bflag:$0x3] =	sbarrier.arrive $0xFFFF;
	s2 =	simm.s32 @!p0 $0x1C02  }
0x5c: {  	[timem:s3], [sflag:s2] =	dma.local @!p0 [hbm:s0], s1  }
0x5d: {  	s0 =	simm.s32 @!p0 $0x2  }
0x5e: {  	_ =	swait.ge @!p0 [sflag:s0], s1  }
0x5f: {  	s1 =	ssub.s32 @!p0 $0x0, s1;
	[sflag:s0] =	ssyncset.done @!p0 $0x0  }
0x60: {  	[sflag:s0] =	ssyncadd.s32 @!p0 s1  }
0x61: {  	[bflag:$0x3] =	sbarrier.arrive $0xFFFF  }
0x62: {  	_ =	shalt  }

// kernel: kernel.22.cloned.1.call-start
scs
__scs_entry_jumppad:
0x0: {  	(pc) =	sbr.rel $0x88, $3  }
0x1: {  	(tag) =	ssettag $0x0;
	lr =	simm.s32 $0x1  }
0x2: {  	[smem:$0x3F86] =	sst lr;
	_ =	strace $0xD0000000  }
0x3: {  	_ = 	snop  }
0x4: {  	_ = 	snop  }
0x5: {  	_ = 	snop  }
0x6: {  	_ = 	snop  }
0x7: {  	_ = 	snop  }
__scs_overlays_trampoline_lowered:
0x8: {  	[smem:$0x3F95] =	sst s0  }
0x9: {  	[smem:$0x3F96] =	sst s1  }
0xa: {  	[smem:$0x3F97] =	sst s2  }
0xb: {  	[smem:$0x3F98] =	sst s3  }
0xc: {  	[smem:$0x3F99] =	sst s4  }
0xd: {  	[smem:$0x3F9A] =	sst s5  }
0xe: {  	[smem:$0x3F9B] =	sst s6  }
0xf: {  	[smem:$0x3F9C] =	sst s7  }
0x10: {  	[smem:$0x3F9D] =	sst s8  }
0x11: {  	[smem:$0x3F9E] =	sst s9;
	s0 =	simm.s32 @!p0 $0x0  }
0x12: {  	s1 =	sld [smem:$0x3F84];
	s0 =	simm.s32 @p0 $0x1  }
0x13: {  	[smem:$0x3F9F] =	sst s0;
	s0 =	simm.s32 @!p1 $0x0  }
0x14: {  	s2 =	sld [smem:$0x3F83];
	s0 =	simm.s32 @p1 $0x1  }
0x15: {  	[smem:$0x3FA0] =	sst s0;
	s0 =	simm.s32 @!p2 $0x0  }
0x16: {  	s3 =	sld [smem:$0x3FDB];
	s0 =	simm.s32 @p2 $0x1  }
0x17: {  	s4 =	simm.s32 $0x1BF5;
	[smem:$0x3FA2] =	sst s0  }
0x18: {  	s0 =	sld [smem:$0x3F85];
	_ =	swait.ge [sflag:s4], $0x0  }
0x19: {  	s7 =	sld [smem:$0x3F86]  }
0x1a: {  	s8 =	sadd.s32 $0xFFFFE003, lr  }
0x1b: {  	s9 =	sadd.s32 $0xFFFFFEF7, lr;
	s5 =	simm.s32 $0xFFFFFFFF;
	p2 =	slt.u32 s8, $0xFFFFF086  }
0x1c: {  	p1 =	slt.u32 s9, $0xF7A;
	s5 =	simm.s32 @!p2 $0x0  }
0x1d: {  	s5 =	simm.s32 @p1 $0x1;
	p0 =	seq.s32 s7, s2  }
0x1e: {  	s7 =	smul.u32 @!p0 $0xF7A, s2;
	p2 =	seq.s32 @!p0 s5, $0x0  }
0x1f: {  	s9 =	smul.u32 $0xF7A, s1;
	s8 =	simm.s32 @!p0 $0x1BF5;
	p2 =	por !p2, p0  }
0x20: {  	[sflag:s8] =	ssyncset.s32 @!p0 $0xFFFFF086;
	s6 =	sadd.s32 @!p0 s3, s7;
	s7 =	simm.s32 @!p0 $0x108  }
0x21: {  	s3 =	sadd.s32 s3, s9;
	s6 =	sadd.s32 @!p0 $0x88, s6;
	s7 =	simm.s32 @p2 $0x1082  }
0x22: {  	[simem:s7], [sflag:s8] =	dma.local @!p0 [hbm:s6], $0xF7A  }
0x23: {  	s9 =	sor.u32 $0xD0000000, s2;
	s6 =	simm.s32 $0x108;
	_ =	swait.ge @!p0 [sflag:s8], $0x0  }
0x24: {  	s3 =	sadd.s32 $0x88, s3;
	s6 =	simm.s32 @!p1 $0x1082;
	[sflag:s4] =	ssyncset.s32 $0xFFFFF086  }
0x25: {  	[simem:s6], [sflag:s4] =	dma.local [hbm:s3], $0xF7A  }
0x26: {  	[smem:$0x3F86] =	sst s1;
	(tag) =	ssettag s2;
	_ =	strace s9  }
0x27: {  	s1 =	sld [smem:$0x3F96]  }
0x28: {  	s2 =	sld [smem:$0x3F97]  }
0x29: {  	s4 =	sld [smem:$0x3F99]  }
0x2a: {  	p0 =	seq.s32 s5, $0x0;
	s5 =	sld [smem:$0x3F9A]  }
0x2b: {  	s6 =	sld [smem:$0x3F9B]  }
0x2c: {  	s7 =	sld [smem:$0x3F9C]  }
0x2d: {  	s3 =	simm.s32 $0x108;
	s8 =	sld [smem:$0x3F9D]  }
0x2e: {  	s3 =	simm.s32 @!p0 $0x1082;
	s9 =	sld [smem:$0x3F9E]  }
0x2f: {  	lr =	sadd.s32 s0, s3;
	s0 =	sld [smem:$0x3F95]  }
0x30: {  	s3 =	sld [smem:$0x3F98]  }
0x31: {  	[smem:$0x3FA1] =	sst s10  }
0x32: {  	s10 =	sld [smem:$0x3F9F];
	_ =	sdelay $0x3  }
0x33: {  	p0 =	seq.s32 s10, $0x1;
	s10 =	sld [smem:$0x3FA1];
	_ =	sdelay $0x3  }
0x34: {  	[smem:$0x3FA1] =	sst s10  }
0x35: {  	s10 =	sld [smem:$0x3FA0];
	_ =	sdelay $0x3  }
0x36: {  	p1 =	seq.s32 s10, $0x1;
	s10 =	sld [smem:$0x3FA1];
	_ =	sdelay $0x3  }
0x37: {  	[smem:$0x3FA1] =	sst s10  }
0x38: {  	s10 =	sld [smem:$0x3FA2]  }
0x39: {  	_ = 	snop;
	(pc) =	sbr.ind lr, $3  }
0x3a: {  	_ = 	snop  }
0x3b: {  	_ = 	snop  }
0x3c: {  	p2 =	seq.s32 s10, $0x1;
	s10 =	sld [smem:$0x3FA1]  }
0x3d: {  	_ =	shalt  }
0x3e: {  	_ =	shalt  }
0x3f: {  	_ =	shalt  }
0x40: {  	_ =	shalt  }
0x41: {  	_ =	shalt  }
0x42: {  	_ =	shalt  }
0x43: {  	_ =	shalt  }
0x44: {  	_ =	shalt  }
0x45: {  	_ =	shalt  }
0x46: {  	_ =	shalt  }
0x47: {  	_ =	shalt  }
0x48: {  	_ =	shalt  }
0x49: {  	_ =	shalt  }
0x4a: {  	_ =	shalt  }
0x4b: {  	_ =	shalt  }
0x4c: {  	_ =	shalt  }
0x4d: {  	_ =	shalt  }
0x4e: {  	_ =	shalt  }
0x4f: {  	_ =	shalt  }
0x50: {  	_ =	shalt  }
0x51: {  	_ =	shalt  }
0x52: {  	_ =	shalt  }
0x53: {  	_ =	shalt  }
0x54: {  	_ =	shalt  }
0x55: {  	_ =	shalt  }
0x56: {  	_ =	shalt  }
0x57: {  	_ =	shalt  }
0x58: {  	_ =	shalt  }
0x59: {  	_ =	shalt  }
0x5a: {  	_ =	shalt  }
0x5b: {  	_ =	shalt  }
0x5c: {  	_ =	shalt  }
0x5d: {  	_ =	shalt  }
0x5e: {  	_ =	shalt  }
0x5f: {  	_ =	shalt  }
0x60: {  	_ =	shalt  }
0x61: {  	_ =	shalt  }
0x62: {  	_ =	shalt  }
0x63: {  	_ =	shalt  }
0x64: {  	_ =	shalt  }
0x65: {  	_ =	shalt  }
0x66: {  	_ =	shalt  }
0x67: {  	_ =	shalt  }
0x68: {  	_ =	shalt  }
0x69: {  	_ =	shalt  }
0x6a: {  	_ =	shalt  }
0x6b: {  	_ =	shalt  }
0x6c: {  	_ =	shalt  }
0x6d: {  	_ =	shalt  }
0x6e: {  	_ =	shalt  }
0x6f: {  	_ =	shalt  }
0x70: {  	_ =	shalt  }
0x71: {  	_ =	shalt  }
0x72: {  	_ =	shalt  }
0x73: {  	_ =	shalt  }
0x74: {  	_ =	shalt  }
0x75: {  	_ =	shalt  }
0x76: {  	_ =	shalt  }
0x77: {  	_ =	shalt  }
0x78: {  	_ =	shalt  }
0x79: {  	_ =	shalt  }
0x7a: {  	_ =	shalt  }
0x7b: {  	_ =	shalt  }
0x7c: {  	_ =	shalt  }
0x7d: {  	_ =	shalt  }
0x7e: {  	_ =	shalt  }
0x7f: {  	_ =	shalt  }
0x80: {  	_ =	shalt  }
0x81: {  	_ =	shalt  }
0x82: {  	_ =	shalt  }
0x83: {  	_ =	shalt  }
0x84: {  	_ =	shalt  }
0x85: {  	_ =	shalt  }
0x86: {  	_ =	shalt  }
0x87: {  	_ =	shalt  }
.Lfunc_end0:
.L_simem_size_0:
called_computation.3_lowered:
.L_overlay_start_0:
0x88: {  	s2 =	sld [smem:$0x3FD9]  }
0x89: {  	s3 =	sld [smem:$0x3FFE];
	_ =	sdelay $0x1  }
0x8a: {  	s1 =	srdreg.scid  }
0x8b: {  	s0 =	sand.u32 $0x1, s1  }
0x8c: {  	s16 =	sshll.u32 s0, $0xA;
	s2 =	sadd.s32 s3, s2  }
0x8d: {  	s2 =	sadd.s32 s2, s16  }
0x8e: {  	[smem:$0x3FAD] =	sst s2  }
0x8f: {  	_ = 	snop  }
0x90: {  	(tm) =	ssettm $0x1  }
0x91: {  	s17 =	sld [smem:$0x3FFB];
	_ =	sdelay $0x3  }
0x92: {  	_ =	strace s17  }
0x93: {  	s2 =	sld [smem:$0x3FFC];
	_ =	sdelay $0x3  }
0x94: {  	_ =	strace s2  }
0x95: {  	s2 =	sld [smem:$0x3FFD];
	_ =	sdelay $0x3  }
0x96: {  	_ =	strace s2  }
0x97: {  	_ =	strace $0x8FFFFFFF  }
0x98: {  	s18 =	sld [smem:$0x3FDB];
	_ =	sdelay $0x1  }
0x99: {  	s19 =	simm.s32 $_scs_section_size  }
0x9a: {  	s4 =	simm.s32 $_size__tile_overlayer_lowered;
	s5 =	simm.s32 $_tile_overlayer_lowered  }
0x9b: {  	s22 =	simm.s32 $0x1BFF;
	s21 =	sshll.u32 s5, $0x1;
	s2 =	sadd.s32 s19, s18  }
0x9c: {  	s6 =	simm.s32 $0x0;
	s20 =	sshll.u32 s4, $0x1;
	s4 =	sadd.s32 s21, s2  }
0x9d: {  	[timem:s6], [sflag:s22] =	dma.local [hbm:s4], s20  }
0x9e: {  	_ =	swait.ge [sflag:s22], s20  }
0x9f: {  	s3 =	ssub.s32 $0x0, s20;
	[sflag:s22] =	ssyncset.done $0x0  }
0xa0: {  	[sflag:s22] =	ssyncadd.s32 s3;
	_ =	sdelay $0x1  }
0xa1: {  	s23 =	simm.s32 $0x1B8B  }
0xa2: {  	_ =	swait.ge [sflag:s23], $0x1  }
0xa3: {  	[sflag:s23] =	ssyncset.done $0x0  }
0xa4: {  	s25 =	simm.s32 $0x1B8E;
	s24 =	sld [smem:$0x3FFE];
	[sflag:s23] =	ssyncadd.s32 $0xFFFFFFFF  }
0xa5: {  	s26 =	simm.s32 $execute0_lowered;
	[smem:$0x3FD2] =	sst s25  }
0xa6: {  	s4 =	sshll.u32 s26, $0x1;
	_ =	strace $0x8000004F;
	[dreg:$0x1] =	wrdreg $0xFFFFFFFF  }
0xa7: {  	s28 =	simm.s32 $_size_execute0_lowered;
	s2 =	sadd.s32 s2, s4;
	[dreg:$0x0] =	wrdreg $0x0  }
0xa8: {  	s4 =	sshll.u32 s28, $0x1;
	[dreg:$0x2] =	wrdreg s2  }
0xa9: {  	[dreg:$0x3] =	wrdreg s4  }
0xaa: {  	[dreg:$0x4] =	wrdreg $0xC0  }
0xab: {  	_ =	task [dreg:s6], $0x5FFFF  }
0xac: {  	[dreg:$0x1] =	wrdreg $0xFFFFFFFF  }
0xad: {  	[dreg:$0x0] =	wrdreg $0x60  }
0xae: {  	[dreg:$0x2] =	wrdreg s24  }
0xaf: {  	[dreg:$0x3] =	wrdreg $0x29000  }
0xb0: {  	[dreg:$0x4] =	wrdreg $0x9  }
0xb1: {  	_ =	task.clear_ibuf [dreg:s6], $0x5FFFF;
	_ =	strace $0x9000004F  }
0xb2: {  	s29 =	simm.s32 $0x9;
	_ =	strace $0x80000051  }
0xb3: {  	_ =	swait.ge [sflag:s29], $0x1  }
0xb4: {  	[sflag:s29] =	ssyncadd.s32 $0xFFFFFFFF  }
0xb5: {  	_ =	strace $0x90000051  }
0xb6: {  	_ =	sfence  }
0xb7: {  	s30 =	sld [smem:$0x0];
	_ =	sdelay $0x2  }
0xb8: {  	s31 =	sshll.u32 s1, $0xD;
	s1 =	sshrl.u32 s1, $0x2  }
0xb9: {  	s3 =	sand.u32 $0x4000, s31;
	s1 =	sadd.s32 s1, s30  }
0xba: {  	s0 =	sor.u32 s3, s0;
	s1 =	sshll.u32 s1, $0x11  }
0xbb: {  	s0 =	sor.u32 s1, s0  }
0xbc: {  	s0 =	sadd.s32 $0x8F2B, s0  }
0xbd: {  	[sflag:s0] =	ssyncadd.remote.s32 $0x1  }
0xbe: {  	_ =	sfence.sel $0xFFFF  }
0xbf: {  	[dreg:$0x0] =	wrdreg $0xFFFFFFFF;
	(pc) =	sbr.abs _section_cstart, $3  }
0xc0: {  	[dreg:$0x1] =	wrdreg $0xFFFFFFFF  }
0xc1: {  	_ =	task.clear_ibuf [dreg:s6], $0x2FFFF;
	_ =	strace $0x9FFFFFFF  }
0xc2: {  	(tm) =	ssettm $0x7FFFFFFF  }
0xc3: {  	_ =	shalt  }
tec
execute0_lowered:
.L_overlay_start_1:
0x0: {  	(tag) =	ssettag $0x1  }
0x1: {  	s7 =	rddreg [dreg:$0x0];
	s0 =	srdreg.scid  }
0x2: {  	s2 =	rddreg [dreg:$0x1];
	s1 =	stileid.u32  }
0x3: {  	s3 =	simm.s32 $0x0;
	s14 =	simm.s32 $0x80;
	s15 =	simm.s32 $0x50  }
0x4: {  	s16 =	simm.s32 $0x100;
	s17 =	simm.s32 $0x1;
	s20 =	simm.s32 $0x0  }
0x5: {  	s5 =	sand.u32 $0x1, s0;
	s0 =	rddreg [dreg:$0x2];
	s8 =	smul.u32 $0x2710, s1  }
0x6: {  	[smem:$0x7FF] =	sst s3;
	s4 =	sadd.s32 $0x19A00, s7;
	s9 =	smul.u32 $0x4E000, s1  }
0x7: {  	s18 =	smul.u32 $0x2700, s1;
	s31 =	sshll.u32 s1, $0x6;
	s13 =	sadd.s32 $0x138000, s2  }
0x8: {  	p0 =	sne.s32 s1, $0xF;
	s6 =	smul.u32 $0x27100, s5;
	s5 =	ssub.s32 $0x2, s5  }
0x9: {  	_ =	strace $0x80000050;
	s13 =	sshrl.u32 @!p0 s13, $0x3;
	s29 =	sshrl.u32 s5, $0x1  }
0xa: {  	s30 =	sshrl.u32 s9, $0x2;
	s8 =	sadd.s32 s8, s6;
	s11 =	sadd.s32 s6, s7  }
0xb: {  	s12 =	sadd.s32 s30, s2;
	s6 =	sor.u32 $0x1C02, s31;
	s8 =	sshrl.u32 s8, $0x3  }
0xc: {  	s19 =	sadd.s32 $0x40C00, s11;
	s11 =	sshrl.u32 s12, $0x3;
	s12 =	simm.s32 $0x2  }
0xd: {  	s10 =	sadd.s32 s8, s7;
	s8 =	ssub.s32 s5, s29;
	s5 =	sadd.s32 s4, s18  }
0xe: {  	s7 =	sadd.s32 $0x40A00, s7;
	s18 =	sadd.s32 s18, s19;
	s19 =	sadd.s32 @!p0 $0x27000, s19  }
0xf: {  	s8 =	smax.u32 s8, $0x1;
	s9 =	sadd.s32 $0x5E00, s10;
	s10 =	sadd.s32 $0xFC00, s10  }
.LBB2_1:
0x10: {  	[spmem:s11], [sflag:s6] =	dma.local [hbm:s5], $0x2700  }
0x11: {  	_ =	swait.ge [sflag:s12], $0x2700  }
0x12: {  	[sflag:s12] =	ssyncset.done $0x0  }
0x13: {  	s21 =	simm.s32 @!p0 $0x2;
	[sflag:s12] =	ssyncadd.s32 $0xFFFFD900  }
0x14: {  	[spmem:s13], [sflag:s6] =	dma.local @!p0 [hbm:s7], $0x100  }
0x15: {  	_ =	swait.ge @!p0 [sflag:s21], $0x100  }
0x16: {  	[sflag:s21] =	ssyncset.done @!p0 $0x0  }
0x17: {  	[sflag:s21] =	ssyncadd.s32 @!p0 $0xFFFFFF00  }
0x18: {  	s30 =	sadd.s32 $0x0, s10;
	[bflag:$0x0] =	sbarrier.arrive $0xFFFF  }
0x19: {  	[tilespmem:s3], [sflag:$0x2] =	stream.linear.gather [hbm4b:s30+s3], $0x50, $0x38;
	[tilespmem:$0x16180] =	vst v63  }
0x1a: {  	_ =	swait.ge [sflag:s12], $0x50  }
0x1b: {  	[sflag:s12] =	ssyncset.done $0x0  }
0x1c: {  	s31 =	sadd.s32 $0x0, s9;
	[sflag:s12] =	ssyncadd.s32 $0xFFFFFFB0  }
0x1d: {  	[tilespmem:s14], [sflag:$0x2] =	stream.linear.gather [hbm4b:s31+s3], $0x50, $0x38;
	[tilespmem:$0x16180] =	vst v63  }
0x1e: {  	_ =	swait.ge [sflag:s12], $0x50  }
0x1f: {  	[sflag:s12] =	ssyncset.done $0x0  }
0x20: {  	[sflag:s12] =	ssyncadd.s32 $0xFFFFFFB0  }
0x21: {  	[tilespmem:s16], [sflag:$0x1] =	stream.indirect.gather [hbm4b:s4+s15], $0x80, s3, s15, $0xb8;
	[tilespmem:$0x16180] =	vst v63  }
0x22: {  	_ =	swait.ge [sflag:s17], $0x2800  }
0x23: {  	[sflag:s17] =	ssyncset.done $0x0  }
0x24: {  	[sflag:s17] =	ssyncadd.s32 $0xFFFFD800  }
0x25: {  	[spmem:s2] =	stream.indirect.scatter.add.f32 [tilespmem:s16], [sflag:$0x2], $0x80, s14, s15, $0xb8;
	[tilespmem:$0x16180] =	vst v63  }
0x26: {  	_ =	swait.ge [sflag:s12], $0x2800  }
0x27: {  	s22 =	simm.s32 $0x14;
	s21 =	simm.s32 $0xA;
	[sflag:s12] =	ssyncset.done $0x0  }
.LBB2_2:
0x28: {  	s23 =	sadd.s32 s21, s10  }
0x29: {  	[sflag:s12] =	ssyncadd.s32 $0xFFFFD800;
	s24 =	smov.u32 s22;
	s25 =	sadd.s32 $0xA, s22  }
0x2a: {  	[tilespmem:s3], [sflag:$0x2] =	stream.linear.gather [hbm4b:s23+s3], $0x50, $0x38;
	[tilespmem:$0x16180] =	vst v63  }
0x2b: {  	p1 =	sne.s32 s22, $0x4D8;
	_ =	swait.ge [sflag:s12], $0x50  }
0x2c: {  	[sflag:s12] =	ssyncset.done $0x0  }
0x2d: {  	s22 =	sadd.s32 s21, s9;
	s21 =	smov.u32 s24;
	[sflag:s12] =	ssyncadd.s32 $0xFFFFFFB0  }
0x2e: {  	[tilespmem:s14], [sflag:$0x2] =	stream.linear.gather [hbm4b:s22+s3], $0x50, $0x38;
	[tilespmem:$0x16180] =	vst v63  }
0x2f: {  	_ =	swait.ge [sflag:s12], $0x50  }
0x30: {  	[sflag:s12] =	ssyncset.done $0x0  }
0x31: {  	[sflag:s12] =	ssyncadd.s32 $0xFFFFFFB0  }
0x32: {  	[tilespmem:s16], [sflag:$0x1] =	stream.indirect.gather [hbm4b:s4+s15], $0x80, s3, s15, $0xb8;
	[tilespmem:$0x16180] =	vst v63  }
0x33: {  	_ =	swait.ge [sflag:s17], $0x2800  }
.Ltmp0:
0x34: {  	[sflag:s17] =	ssyncset.done $0x0;
	(pc) =	sbr.rel @p1 .LBB2_2-.Ltmp0, $4  }
0x35: {  	[sflag:s17] =	ssyncadd.s32 $0xFFFFD800  }
0x36: {  	[spmem:s2] =	stream.indirect.scatter.add.f32 [tilespmem:s16], [sflag:$0x2], $0x80, s14, s15, $0xb8;
	[tilespmem:$0x16180] =	vst v63  }
0x37: {  	_ =	swait.ge [sflag:s12], $0x2800  }
0x38: {  	s22 =	smov.u32 s25;
	[sflag:s12] =	ssyncset.done $0x0  }
0x39: {  	s22 =	sadd.s32 s21, s10;
	[sflag:s12] =	ssyncadd.s32 $0xFFFFD800  }
0x3a: {  	[tilespmem:s3], [sflag:$0x2] =	stream.linear.gather [hbm4b:s22+s3], $0x50, $0x38;
	[tilespmem:$0x16180] =	vst v63  }
0x3b: {  	_ =	swait.ge [sflag:s12], $0x50  }
0x3c: {  	[sflag:s12] =	ssyncset.done $0x0  }
0x3d: {  	s31 =	sadd.s32 s21, s9;
	[sflag:s12] =	ssyncadd.s32 $0xFFFFFFB0  }
0x3e: {  	[tilespmem:s14], [sflag:$0x2] =	stream.linear.gather [hbm4b:s31+s3], $0x50, $0x38;
	[tilespmem:$0x16180] =	vst v63  }
0x3f: {  	_ =	swait.ge [sflag:s12], $0x50  }
0x40: {  	[sflag:s12] =	ssyncset.done $0x0  }
0x41: {  	[sflag:s12] =	ssyncadd.s32 $0xFFFFFFB0  }
0x42: {  	[tilespmem:s16], [sflag:$0x1] =	stream.indirect.gather [hbm4b:s4+s15], $0x80, s3, s15, $0xb8;
	[tilespmem:$0x16180] =	vst v63  }
0x43: {  	_ =	swait.ge [sflag:s17], $0x2800  }
0x44: {  	[sflag:s17] =	ssyncset.done $0x0  }
0x45: {  	[sflag:s17] =	ssyncadd.s32 $0xFFFFD800  }
0x46: {  	[spmem:s2] =	stream.indirect.scatter.add.f32 [tilespmem:s16], [sflag:$0x2], $0x80, s14, s15, $0xb8;
	[tilespmem:$0x16180] =	vst v63  }
0x47: {  	_ =	swait.ge [sflag:s12], $0x2800  }
0x48: {  	[sflag:s12] =	ssyncset.done $0x0  }
0x49: {  	[sflag:s12] =	ssyncadd.s32 $0xFFFFD800  }
0x4a: {  	[bflag:$0x0] =	sbarrier.arrive $0xFFFF  }
0x4b: {  	[hbm:s18], [sflag:s6] =	dma.local [spmem:s11], $0x2700  }
0x4c: {  	s20 =	sadd.s32 $0x1, s20;
	_ =	swait.ge [sflag:s12], $0x2700  }
0x4d: {  	p1 =	sne.s32 s20, s8;
	[sflag:s12] =	ssyncset.done $0x0  }
.Ltmp1:
0x4e: {  	s21 =	simm.s32 @!p0 $0x2;
	[sflag:s12] =	ssyncadd.s32 $0xFFFFD900;
	(pc) =	sbr.rel @p1 .LBB2_1-.Ltmp1, $4  }
0x4f: {  	[hbm:s19], [sflag:s6] =	dma.local @!p0 [spmem:s13], $0x100  }
0x50: {  	_ =	swait.ge @!p0 [sflag:s21], $0x100  }
0x51: {  	[sflag:s21] =	ssyncset.done @!p0 $0x0  }
0x52: {  	[sflag:s21] =	ssyncadd.s32 @!p0 $0xFFFFFF00  }
0x53: {  	_ =	sfence.sel $0x180000  }
0x54: {  	[bflag:$0x0] =	sbarrier.arrive $0xFFFF  }
0x55: {  	p0 =	sne.s32 s1, $0x0;
	_ =	strace $0x90000050  }
0x56: {  	s0 =	sadd.s32 @!p0 $0x100000, s0;
	[bflag:$0x2] =	sbarrier.arrive $0xFFFF  }
0x57: {  	[sflag:s0] =	ssyncadd.tile.s32 @!p0 $0x1;
	_ =	shalt  }
.Lfunc_end2:
_tile_overlayer_lowered:
.L_overlay_start_2:
0x58: {  	(tag) =	ssettag $0x2  }
0x59: {  	s0 =	rddreg [dreg:$0x0];
	s2 =	stileid.u32  }
0x5a: {  	s1 =	rddreg [dreg:$0x1];
	p0 =	sne.s32 s2, $0x0  }
0x5b: {  	s3 =	rddreg [dreg:$0x2];
	[bflag:$0x3] =	sbarrier.arrive $0xFFFF;
	s2 =	simm.s32 @!p0 $0x1C02  }
0x5c: {  	[timem:s3], [sflag:s2] =	dma.local @!p0 [hbm:s0], s1  }
0x5d: {  	s0 =	simm.s32 @!p0 $0x2  }
0x5e: {  	_ =	swait.ge @!p0 [sflag:s0], s1  }
0x5f: {  	s1 =	ssub.s32 @!p0 $0x0, s1;
	[sflag:s0] =	ssyncset.done @!p0 $0x0  }
0x60: {  	[sflag:s0] =	ssyncadd.s32 @!p0 s1  }
0x61: {  	[bflag:$0x3] =	sbarrier.arrive $0xFFFF  }
0x62: {  	_ =	shalt  }

// kernel: kernel.25.cloned.1.call-start
scs
__scs_entry_jumppad:
0x0: {  	(pc) =	sbr.rel $0x88, $3  }
0x1: {  	(tag) =	ssettag $0x0;
	lr =	simm.s32 $0x1  }
0x2: {  	[smem:$0x3F86] =	sst lr;
	_ =	strace $0xD0000000  }
0x3: {  	_ = 	snop  }
0x4: {  	_ = 	snop  }
0x5: {  	_ = 	snop  }
0x6: {  	_ = 	snop  }
0x7: {  	_ = 	snop  }
__scs_overlays_trampoline_lowered:
0x8: {  	[smem:$0x3F95] =	sst s0  }
0x9: {  	[smem:$0x3F96] =	sst s1  }
0xa: {  	[smem:$0x3F97] =	sst s2  }
0xb: {  	[smem:$0x3F98] =	sst s3  }
0xc: {  	[smem:$0x3F99] =	sst s4  }
0xd: {  	[smem:$0x3F9A] =	sst s5  }
0xe: {  	[smem:$0x3F9B] =	sst s6  }
0xf: {  	[smem:$0x3F9C] =	sst s7  }
0x10: {  	[smem:$0x3F9D] =	sst s8  }
0x11: {  	[smem:$0x3F9E] =	sst s9;
	s0 =	simm.s32 @!p0 $0x0  }
0x12: {  	s1 =	sld [smem:$0x3F84];
	s0 =	simm.s32 @p0 $0x1  }
0x13: {  	[smem:$0x3F9F] =	sst s0;
	s0 =	simm.s32 @!p1 $0x0  }
0x14: {  	s2 =	sld [smem:$0x3F83];
	s0 =	simm.s32 @p1 $0x1  }
0x15: {  	[smem:$0x3FA0] =	sst s0;
	s0 =	simm.s32 @!p2 $0x0  }
0x16: {  	s3 =	sld [smem:$0x3FDB];
	s0 =	simm.s32 @p2 $0x1  }
0x17: {  	s4 =	simm.s32 $0x1BF5;
	[smem:$0x3FA2] =	sst s0  }
0x18: {  	s0 =	sld [smem:$0x3F85];
	_ =	swait.ge [sflag:s4], $0x0  }
0x19: {  	s7 =	sld [smem:$0x3F86]  }
0x1a: {  	s8 =	sadd.s32 $0xFFFFE003, lr  }
0x1b: {  	s9 =	sadd.s32 $0xFFFFFEF7, lr;
	s5 =	simm.s32 $0xFFFFFFFF;
	p2 =	slt.u32 s8, $0xFFFFF086  }
0x1c: {  	p1 =	slt.u32 s9, $0xF7A;
	s5 =	simm.s32 @!p2 $0x0  }
0x1d: {  	s5 =	simm.s32 @p1 $0x1;
	p0 =	seq.s32 s7, s2  }
0x1e: {  	s7 =	smul.u32 @!p0 $0xF7A, s2;
	p2 =	seq.s32 @!p0 s5, $0x0  }
0x1f: {  	s9 =	smul.u32 $0xF7A, s1;
	s8 =	simm.s32 @!p0 $0x1BF5;
	p2 =	por !p2, p0  }
0x20: {  	[sflag:s8] =	ssyncset.s32 @!p0 $0xFFFFF086;
	s6 =	sadd.s32 @!p0 s3, s7;
	s7 =	simm.s32 @!p0 $0x108  }
0x21: {  	s3 =	sadd.s32 s3, s9;
	s6 =	sadd.s32 @!p0 $0x88, s6;
	s7 =	simm.s32 @p2 $0x1082  }
0x22: {  	[simem:s7], [sflag:s8] =	dma.local @!p0 [hbm:s6], $0xF7A  }
0x23: {  	s9 =	sor.u32 $0xD0000000, s2;
	s6 =	simm.s32 $0x108;
	_ =	swait.ge @!p0 [sflag:s8], $0x0  }
0x24: {  	s3 =	sadd.s32 $0x88, s3;
	s6 =	simm.s32 @!p1 $0x1082;
	[sflag:s4] =	ssyncset.s32 $0xFFFFF086  }
0x25: {  	[simem:s6], [sflag:s4] =	dma.local [hbm:s3], $0xF7A  }
0x26: {  	[smem:$0x3F86] =	sst s1;
	(tag) =	ssettag s2;
	_ =	strace s9  }
0x27: {  	s1 =	sld [smem:$0x3F96]  }
0x28: {  	s2 =	sld [smem:$0x3F97]  }
0x29: {  	s4 =	sld [smem:$0x3F99]  }
0x2a: {  	p0 =	seq.s32 s5, $0x0;
	s5 =	sld [smem:$0x3F9A]  }
0x2b: {  	s6 =	sld [smem:$0x3F9B]  }
0x2c: {  	s7 =	sld [smem:$0x3F9C]  }
0x2d: {  	s3 =	simm.s32 $0x108;
	s8 =	sld [smem:$0x3F9D]  }
0x2e: {  	s3 =	simm.s32 @!p0 $0x1082;
	s9 =	sld [smem:$0x3F9E]  }
0x2f: {  	lr =	sadd.s32 s0, s3;
	s0 =	sld [smem:$0x3F95]  }
0x30: {  	s3 =	sld [smem:$0x3F98]  }
0x31: {  	[smem:$0x3FA1] =	sst s10  }
0x32: {  	s10 =	sld [smem:$0x3F9F];
	_ =	sdelay $0x3  }
0x33: {  	p0 =	seq.s32 s10, $0x1;
	s10 =	sld [smem:$0x3FA1];
	_ =	sdelay $0x3  }
0x34: {  	[smem:$0x3FA1] =	sst s10  }
0x35: {  	s10 =	sld [smem:$0x3FA0];
	_ =	sdelay $0x3  }
0x36: {  	p1 =	seq.s32 s10, $0x1;
	s10 =	sld [smem:$0x3FA1];
	_ =	sdelay $0x3  }
0x37: {  	[smem:$0x3FA1] =	sst s10  }
0x38: {  	s10 =	sld [smem:$0x3FA2]  }
0x39: {  	_ = 	snop;
	(pc) =	sbr.ind lr, $3  }
0x3a: {  	_ = 	snop  }
0x3b: {  	_ = 	snop  }
0x3c: {  	p2 =	seq.s32 s10, $0x1;
	s10 =	sld [smem:$0x3FA1]  }
0x3d: {  	_ =	shalt  }
0x3e: {  	_ =	shalt  }
0x3f: {  	_ =	shalt  }
0x40: {  	_ =	shalt  }
0x41: {  	_ =	shalt  }
0x42: {  	_ =	shalt  }
0x43: {  	_ =	shalt  }
0x44: {  	_ =	shalt  }
0x45: {  	_ =	shalt  }
0x46: {  	_ =	shalt  }
0x47: {  	_ =	shalt  }
0x48: {  	_ =	shalt  }
0x49: {  	_ =	shalt  }
0x4a: {  	_ =	shalt  }
0x4b: {  	_ =	shalt  }
0x4c: {  	_ =	shalt  }
0x4d: {  	_ =	shalt  }
0x4e: {  	_ =	shalt  }
0x4f: {  	_ =	shalt  }
0x50: {  	_ =	shalt  }
0x51: {  	_ =	shalt  }
0x52: {  	_ =	shalt  }
0x53: {  	_ =	shalt  }
0x54: {  	_ =	shalt  }
0x55: {  	_ =	shalt  }
0x56: {  	_ =	shalt  }
0x57: {  	_ =	shalt  }
0x58: {  	_ =	shalt  }
0x59: {  	_ =	shalt  }
0x5a: {  	_ =	shalt  }
0x5b: {  	_ =	shalt  }
0x5c: {  	_ =	shalt  }
0x5d: {  	_ =	shalt  }
0x5e: {  	_ =	shalt  }
0x5f: {  	_ =	shalt  }
0x60: {  	_ =	shalt  }
0x61: {  	_ =	shalt  }
0x62: {  	_ =	shalt  }
0x63: {  	_ =	shalt  }
0x64: {  	_ =	shalt  }
0x65: {  	_ =	shalt  }
0x66: {  	_ =	shalt  }
0x67: {  	_ =	shalt  }
0x68: {  	_ =	shalt  }
0x69: {  	_ =	shalt  }
0x6a: {  	_ =	shalt  }
0x6b: {  	_ =	shalt  }
0x6c: {  	_ =	shalt  }
0x6d: {  	_ =	shalt  }
0x6e: {  	_ =	shalt  }
0x6f: {  	_ =	shalt  }
0x70: {  	_ =	shalt  }
0x71: {  	_ =	shalt  }
0x72: {  	_ =	shalt  }
0x73: {  	_ =	shalt  }
0x74: {  	_ =	shalt  }
0x75: {  	_ =	shalt  }
0x76: {  	_ =	shalt  }
0x77: {  	_ =	shalt  }
0x78: {  	_ =	shalt  }
0x79: {  	_ =	shalt  }
0x7a: {  	_ =	shalt  }
0x7b: {  	_ =	shalt  }
0x7c: {  	_ =	shalt  }
0x7d: {  	_ =	shalt  }
0x7e: {  	_ =	shalt  }
0x7f: {  	_ =	shalt  }
0x80: {  	_ =	shalt  }
0x81: {  	_ =	shalt  }
0x82: {  	_ =	shalt  }
0x83: {  	_ =	shalt  }
0x84: {  	_ =	shalt  }
0x85: {  	_ =	shalt  }
0x86: {  	_ =	shalt  }
0x87: {  	_ =	shalt  }
.Lfunc_end0:
.L_simem_size_0:
called_computation.4_lowered:
.L_overlay_start_0:
0x88: {  	s2 =	sld [smem:$0x3FD9]  }
0x89: {  	s3 =	sld [smem:$0x3FFE];
	_ =	sdelay $0x1  }
0x8a: {  	s1 =	srdreg.scid  }
0x8b: {  	s0 =	sand.u32 $0x1, s1  }
0x8c: {  	s16 =	sshll.u32 s0, $0xA;
	s2 =	sadd.s32 s3, s2  }
0x8d: {  	s2 =	sadd.s32 s2, s16  }
0x8e: {  	[smem:$0x3FAD] =	sst s2  }
0x8f: {  	_ = 	snop  }
0x90: {  	(tm) =	ssettm $0x1  }
0x91: {  	s17 =	sld [smem:$0x3FFB];
	_ =	sdelay $0x3  }
0x92: {  	_ =	strace s17  }
0x93: {  	s2 =	sld [smem:$0x3FFC];
	_ =	sdelay $0x3  }
0x94: {  	_ =	strace s2  }
0x95: {  	s2 =	sld [smem:$0x3FFD];
	_ =	sdelay $0x3  }
0x96: {  	_ =	strace s2  }
0x97: {  	_ =	strace $0x8FFFFFFF  }
0x98: {  	s18 =	sld [smem:$0x3FDB];
	_ =	sdelay $0x1  }
0x99: {  	s19 =	simm.s32 $_scs_section_size  }
0x9a: {  	s4 =	simm.s32 $_size__tile_overlayer_lowered;
	s5 =	simm.s32 $_tile_overlayer_lowered  }
0x9b: {  	s22 =	simm.s32 $0x1BFF;
	s21 =	sshll.u32 s5, $0x1;
	s2 =	sadd.s32 s19, s18  }
0x9c: {  	s6 =	simm.s32 $0x0;
	s20 =	sshll.u32 s4, $0x1;
	s4 =	sadd.s32 s21, s2  }
0x9d: {  	[timem:s6], [sflag:s22] =	dma.local [hbm:s4], s20  }
0x9e: {  	_ =	swait.ge [sflag:s22], s20  }
0x9f: {  	s3 =	ssub.s32 $0x0, s20;
	[sflag:s22] =	ssyncset.done $0x0  }
0xa0: {  	[sflag:s22] =	ssyncadd.s32 s3;
	_ =	sdelay $0x1  }
0xa1: {  	s23 =	simm.s32 $0x1B8B  }
0xa2: {  	_ =	swait.ge [sflag:s23], $0x1  }
0xa3: {  	[sflag:s23] =	ssyncset.done $0x0  }
0xa4: {  	s25 =	simm.s32 $0x1B8E;
	s24 =	sld [smem:$0x3FFE];
	[sflag:s23] =	ssyncadd.s32 $0xFFFFFFFF  }
0xa5: {  	s26 =	simm.s32 $execute0_lowered;
	[smem:$0x3FD2] =	sst s25  }
0xa6: {  	s4 =	sshll.u32 s26, $0x1;
	_ =	strace $0x80000052;
	[dreg:$0x1] =	wrdreg $0xFFFFFFFF  }
0xa7: {  	s28 =	simm.s32 $_size_execute0_lowered;
	s2 =	sadd.s32 s2, s4;
	[dreg:$0x0] =	wrdreg $0x0  }
0xa8: {  	s4 =	sshll.u32 s28, $0x1;
	[dreg:$0x2] =	wrdreg s2  }
0xa9: {  	[dreg:$0x3] =	wrdreg s4  }
0xaa: {  	[dreg:$0x4] =	wrdreg $0xC0  }
0xab: {  	_ =	task [dreg:s6], $0x5FFFF  }
0xac: {  	[dreg:$0x1] =	wrdreg $0xFFFFFFFF  }
0xad: {  	[dreg:$0x0] =	wrdreg $0x60  }
0xae: {  	[dreg:$0x2] =	wrdreg s24  }
0xaf: {  	[dreg:$0x3] =	wrdreg $0x29000  }
0xb0: {  	[dreg:$0x4] =	wrdreg $0x9  }
0xb1: {  	_ =	task.clear_ibuf [dreg:s6], $0x5FFFF;
	_ =	strace $0x90000052  }
0xb2: {  	s29 =	simm.s32 $0x9;
	_ =	strace $0x80000054  }
0xb3: {  	_ =	swait.ge [sflag:s29], $0x1  }
0xb4: {  	[sflag:s29] =	ssyncadd.s32 $0xFFFFFFFF  }
0xb5: {  	_ =	strace $0x90000054  }
0xb6: {  	_ =	sfence  }
0xb7: {  	s30 =	sld [smem:$0x0];
	_ =	sdelay $0x2  }
0xb8: {  	s31 =	sshll.u32 s1, $0xD;
	s1 =	sshrl.u32 s1, $0x2  }
0xb9: {  	s3 =	sand.u32 $0x4000, s31;
	s1 =	sadd.s32 s1, s30  }
0xba: {  	s0 =	sor.u32 s3, s0;
	s1 =	sshll.u32 s1, $0x11  }
0xbb: {  	s0 =	sor.u32 s1, s0  }
0xbc: {  	s0 =	sadd.s32 $0x8F2B, s0  }
0xbd: {  	[sflag:s0] =	ssyncadd.remote.s32 $0x1  }
0xbe: {  	_ =	sfence.sel $0xFFFF  }
0xbf: {  	[dreg:$0x0] =	wrdreg $0xFFFFFFFF;
	(pc) =	sbr.abs _section_cstart, $3  }
0xc0: {  	[dreg:$0x1] =	wrdreg $0xFFFFFFFF  }
0xc1: {  	_ =	task.clear_ibuf [dreg:s6], $0x2FFFF;
	_ =	strace $0x9FFFFFFF  }
0xc2: {  	(tm) =	ssettm $0x7FFFFFFF  }
0xc3: {  	_ =	shalt  }
tec
execute0_lowered:
.L_overlay_start_1:
0x0: {  	(tag) =	ssettag $0x1  }
0x1: {  	s7 =	rddreg [dreg:$0x0];
	s0 =	srdreg.scid  }
0x2: {  	s2 =	rddreg [dreg:$0x1];
	s1 =	stileid.u32  }
0x3: {  	s3 =	simm.s32 $0x0;
	s14 =	simm.s32 $0x80;
	s15 =	simm.s32 $0x50  }
0x4: {  	s16 =	simm.s32 $0x100;
	s17 =	simm.s32 $0x1;
	s20 =	simm.s32 $0x0  }
0x5: {  	s5 =	sand.u32 $0x1, s0;
	s0 =	rddreg [dreg:$0x2];
	s8 =	smul.u32 $0x2710, s1  }
0x6: {  	[smem:$0x7FF] =	sst s3;
	s4 =	sadd.s32 $0x19A00, s7;
	s9 =	smul.u32 $0x4E000, s1  }
0x7: {  	s18 =	smul.u32 $0x2700, s1;
	s31 =	sshll.u32 s1, $0x6;
	s13 =	sadd.s32 $0x138000, s2  }
0x8: {  	p0 =	sne.s32 s1, $0xF;
	s6 =	smul.u32 $0x27100, s5;
	s5 =	ssub.s32 $0x2, s5  }
0x9: {  	_ =	strace $0x80000053;
	s13 =	sshrl.u32 @!p0 s13, $0x3;
	s29 =	sshrl.u32 s5, $0x1  }
0xa: {  	s30 =	sshrl.u32 s9, $0x2;
	s8 =	sadd.s32 s8, s6;
	s11 =	sadd.s32 s6, s7  }
0xb: {  	s12 =	sadd.s32 s30, s2;
	s6 =	sor.u32 $0x1C02, s31;
	s8 =	sshrl.u32 s8, $0x3  }
0xc: {  	s19 =	sadd.s32 $0x40C00, s11;
	s11 =	sshrl.u32 s12, $0x3;
	s12 =	simm.s32 $0x2  }
0xd: {  	s10 =	sadd.s32 s8, s7;
	s8 =	ssub.s32 s5, s29;
	s5 =	sadd.s32 s4, s18  }
0xe: {  	s7 =	sadd.s32 $0x40A00, s7;
	s18 =	sadd.s32 s18, s19;
	s19 =	sadd.s32 @!p0 $0x27000, s19  }
0xf: {  	s8 =	smax.u32 s8, $0x1;
	s9 =	sadd.s32 $0x5E00, s10;
	s10 =	sadd.s32 $0xFC00, s10  }
.LBB2_1:
0x10: {  	[spmem:s11], [sflag:s6] =	dma.local [hbm:s5], $0x2700  }
0x11: {  	_ =	swait.ge [sflag:s12], $0x2700  }
0x12: {  	[sflag:s12] =	ssyncset.done $0x0  }
0x13: {  	s21 =	simm.s32 @!p0 $0x2;
	[sflag:s12] =	ssyncadd.s32 $0xFFFFD900  }
0x14: {  	[spmem:s13], [sflag:s6] =	dma.local @!p0 [hbm:s7], $0x100  }
0x15: {  	_ =	swait.ge @!p0 [sflag:s21], $0x100  }
0x16: {  	[sflag:s21] =	ssyncset.done @!p0 $0x0  }
0x17: {  	[sflag:s21] =	ssyncadd.s32 @!p0 $0xFFFFFF00  }
0x18: {  	s30 =	sadd.s32 $0x0, s10;
	[bflag:$0x0] =	sbarrier.arrive $0xFFFF  }
0x19: {  	[tilespmem:s3], [sflag:$0x2] =	stream.linear.gather [hbm4b:s30+s3], $0x50, $0x38;
	[tilespmem:$0x16180] =	vst v63  }
0x1a: {  	_ =	swait.ge [sflag:s12], $0x50  }
0x1b: {  	[sflag:s12] =	ssyncset.done $0x0  }
0x1c: {  	s31 =	sadd.s32 $0x0, s9;
	[sflag:s12] =	ssyncadd.s32 $0xFFFFFFB0  }
0x1d: {  	[tilespmem:s14], [sflag:$0x2] =	stream.linear.gather [hbm4b:s31+s3], $0x50, $0x38;
	[tilespmem:$0x16180] =	vst v63  }
0x1e: {  	_ =	swait.ge [sflag:s12], $0x50  }
0x1f: {  	[sflag:s12] =	ssyncset.done $0x0  }
0x20: {  	[sflag:s12] =	ssyncadd.s32 $0xFFFFFFB0  }
0x21: {  	[tilespmem:s16], [sflag:$0x1] =	stream.indirect.gather [hbm4b:s4+s15], $0x80, s3, s15, $0xb8;
	[tilespmem:$0x16180] =	vst v63  }
0x22: {  	_ =	swait.ge [sflag:s17], $0x2800  }
0x23: {  	[sflag:s17] =	ssyncset.done $0x0  }
0x24: {  	[sflag:s17] =	ssyncadd.s32 $0xFFFFD800  }
0x25: {  	[spmem:s2] =	stream.indirect.scatter.add.f32 [tilespmem:s16], [sflag:$0x2], $0x80, s14, s15, $0xb8;
	[tilespmem:$0x16180] =	vst v63  }
0x26: {  	_ =	swait.ge [sflag:s12], $0x2800  }
0x27: {  	s22 =	simm.s32 $0x14;
	s21 =	simm.s32 $0xA;
	[sflag:s12] =	ssyncset.done $0x0  }
.LBB2_2:
0x28: {  	s23 =	sadd.s32 s21, s10  }
0x29: {  	[sflag:s12] =	ssyncadd.s32 $0xFFFFD800;
	s24 =	smov.u32 s22;
	s25 =	sadd.s32 $0xA, s22  }
0x2a: {  	[tilespmem:s3], [sflag:$0x2] =	stream.linear.gather [hbm4b:s23+s3], $0x50, $0x38;
	[tilespmem:$0x16180] =	vst v63  }
0x2b: {  	p1 =	sne.s32 s22, $0x4D8;
	_ =	swait.ge [sflag:s12], $0x50  }
0x2c: {  	[sflag:s12] =	ssyncset.done $0x0  }
0x2d: {  	s22 =	sadd.s32 s21, s9;
	s21 =	smov.u32 s24;
	[sflag:s12] =	ssyncadd.s32 $0xFFFFFFB0  }
0x2e: {  	[tilespmem:s14], [sflag:$0x2] =	stream.linear.gather [hbm4b:s22+s3], $0x50, $0x38;
	[tilespmem:$0x16180] =	vst v63  }
0x2f: {  	_ =	swait.ge [sflag:s12], $0x50  }
0x30: {  	[sflag:s12] =	ssyncset.done $0x0  }
0x31: {  	[sflag:s12] =	ssyncadd.s32 $0xFFFFFFB0  }
0x32: {  	[tilespmem:s16], [sflag:$0x1] =	stream.indirect.gather [hbm4b:s4+s15], $0x80, s3, s15, $0xb8;
	[tilespmem:$0x16180] =	vst v63  }
0x33: {  	_ =	swait.ge [sflag:s17], $0x2800  }
.Ltmp0:
0x34: {  	[sflag:s17] =	ssyncset.done $0x0;
	(pc) =	sbr.rel @p1 .LBB2_2-.Ltmp0, $4  }
0x35: {  	[sflag:s17] =	ssyncadd.s32 $0xFFFFD800  }
0x36: {  	[spmem:s2] =	stream.indirect.scatter.add.f32 [tilespmem:s16], [sflag:$0x2], $0x80, s14, s15, $0xb8;
	[tilespmem:$0x16180] =	vst v63  }
0x37: {  	_ =	swait.ge [sflag:s12], $0x2800  }
0x38: {  	s22 =	smov.u32 s25;
	[sflag:s12] =	ssyncset.done $0x0  }
0x39: {  	s22 =	sadd.s32 s21, s10;
	[sflag:s12] =	ssyncadd.s32 $0xFFFFD800  }
0x3a: {  	[tilespmem:s3], [sflag:$0x2] =	stream.linear.gather [hbm4b:s22+s3], $0x50, $0x38;
	[tilespmem:$0x16180] =	vst v63  }
0x3b: {  	_ =	swait.ge [sflag:s12], $0x50  }
0x3c: {  	[sflag:s12] =	ssyncset.done $0x0  }
0x3d: {  	s31 =	sadd.s32 s21, s9;
	[sflag:s12] =	ssyncadd.s32 $0xFFFFFFB0  }
0x3e: {  	[tilespmem:s14], [sflag:$0x2] =	stream.linear.gather [hbm4b:s31+s3], $0x50, $0x38;
	[tilespmem:$0x16180] =	vst v63  }
0x3f: {  	_ =	swait.ge [sflag:s12], $0x50  }
0x40: {  	[sflag:s12] =	ssyncset.done $0x0  }
0x41: {  	[sflag:s12] =	ssyncadd.s32 $0xFFFFFFB0  }
0x42: {  	[tilespmem:s16], [sflag:$0x1] =	stream.indirect.gather [hbm4b:s4+s15], $0x80, s3, s15, $0xb8;
	[tilespmem:$0x16180] =	vst v63  }
0x43: {  	_ =	swait.ge [sflag:s17], $0x2800  }
0x44: {  	[sflag:s17] =	ssyncset.done $0x0  }
0x45: {  	[sflag:s17] =	ssyncadd.s32 $0xFFFFD800  }
0x46: {  	[spmem:s2] =	stream.indirect.scatter.add.f32 [tilespmem:s16], [sflag:$0x2], $0x80, s14, s15, $0xb8;
	[tilespmem:$0x16180] =	vst v63  }
0x47: {  	_ =	swait.ge [sflag:s12], $0x2800  }
0x48: {  	[sflag:s12] =	ssyncset.done $0x0  }
0x49: {  	[sflag:s12] =	ssyncadd.s32 $0xFFFFD800  }
0x4a: {  	[bflag:$0x0] =	sbarrier.arrive $0xFFFF  }
0x4b: {  	[hbm:s18], [sflag:s6] =	dma.local [spmem:s11], $0x2700  }
0x4c: {  	s20 =	sadd.s32 $0x1, s20;
	_ =	swait.ge [sflag:s12], $0x2700  }
0x4d: {  	p1 =	sne.s32 s20, s8;
	[sflag:s12] =	ssyncset.done $0x0  }
.Ltmp1:
0x4e: {  	s21 =	simm.s32 @!p0 $0x2;
	[sflag:s12] =	ssyncadd.s32 $0xFFFFD900;
	(pc) =	sbr.rel @p1 .LBB2_1-.Ltmp1, $4  }
0x4f: {  	[hbm:s19], [sflag:s6] =	dma.local @!p0 [spmem:s13], $0x100  }
0x50: {  	_ =	swait.ge @!p0 [sflag:s21], $0x100  }
0x51: {  	[sflag:s21] =	ssyncset.done @!p0 $0x0  }
0x52: {  	[sflag:s21] =	ssyncadd.s32 @!p0 $0xFFFFFF00  }
0x53: {  	_ =	sfence.sel $0x180000  }
0x54: {  	[bflag:$0x0] =	sbarrier.arrive $0xFFFF  }
0x55: {  	p0 =	sne.s32 s1, $0x0;
	_ =	strace $0x90000053  }
0x56: {  	s0 =	sadd.s32 @!p0 $0x100000, s0;
	[bflag:$0x2] =	sbarrier.arrive $0xFFFF  }
0x57: {  	[sflag:s0] =	ssyncadd.tile.s32 @!p0 $0x1;
	_ =	shalt  }
.Lfunc_end2:
_tile_overlayer_lowered:
.L_overlay_start_2:
0x58: {  	(tag) =	ssettag $0x2  }
0x59: {  	s0 =	rddreg [dreg:$0x0];
	s2 =	stileid.u32  }
0x5a: {  	s1 =	rddreg [dreg:$0x1];
	p0 =	sne.s32 s2, $0x0  }
0x5b: {  	s3 =	rddreg [dreg:$0x2];
	[bflag:$0x3] =	sbarrier.arrive $0xFFFF;
	s2 =	simm.s32 @!p0 $0x1C02  }
0x5c: {  	[timem:s3], [sflag:s2] =	dma.local @!p0 [hbm:s0], s1  }
0x5d: {  	s0 =	simm.s32 @!p0 $0x2  }
0x5e: {  	_ =	swait.ge @!p0 [sflag:s0], s1  }
0x5f: {  	s1 =	ssub.s32 @!p0 $0x0, s1;
	[sflag:s0] =	ssyncset.done @!p0 $0x0  }
0x60: {  	[sflag:s0] =	ssyncadd.s32 @!p0 s1  }
0x61: {  	[bflag:$0x3] =	sbarrier.arrive $0xFFFF  }
0x62: {  	_ =	shalt  }

</sc_bundles>
